<compile_context>
chip_gen: v7x
topology: tpu7x:2x2x1
jax: 0.10.2.dev20260603
libtpu: 0.0.44.dev20260713+nightly
codegen_flags: <defaults>
</compile_context>

<pallas_src>
import functools

import jax
import jax.numpy as jnp
from jax import lax
from jax.experimental import pallas as pl
from jax.experimental.pallas import tpu as pltpu
from jax.experimental.pallas import tpu_sc as plsc

_NX, _NY, _NZ = 468, 468, 2
_PLANE = _NY * _NX
_CELLS = _NZ * _PLANE
_CB = 64
_B = 2
_N = 50000
_D = 128
_KEY_LANE = 64
_NPAD = 50176
_SENT = 2_000_000
_YB = 16
_NYB = -(-_NY // _YB)
_NY_PAD = _NYB * _YB
_K = 128


def _sc_gather(aug_tbl, order_pad):
    info = plsc.get_sparse_core_info()
    nc, ns = info.num_cores, info.num_subcores
    nw = nc * ns
    bpw = _NPAD // nw
    assert _NPAD % nw == 0 and bpw % 112 == 0
    ch = 112
    rb = min(bpw, 784)
    rounds = bpw // rb
    mesh = plsc.VectorSubcoreMesh(core_axis_name="c", subcore_axis_name="s")

    @functools.partial(
        pl.kernel, mesh=mesh,
        out_type=jax.ShapeDtypeStruct((_NPAD, _D), jnp.float32),
        scratch_types=[
            pltpu.VMEM((bpw,), jnp.int32),
            pltpu.VMEM((rb, _D), jnp.float32),
            pltpu.SemaphoreType.DMA,
        ],
    )
    def k(tbl_hbm, idx_hbm, out_hbm, idx_v, rows_v, sem):
        wid = lax.axis_index("s") * nc + lax.axis_index("c")
        base = wid * bpw
        pltpu.sync_copy(idx_hbm.at[pl.ds(base, bpw)], idx_v)
        for r in range(rounds):
            copies = []
            for j in range(rb // ch):
                o = r * rb + j * ch
                copies.append(pltpu.async_copy(
                    tbl_hbm.at[idx_v.at[pl.ds(o, ch)]],
                    rows_v.at[pl.ds(j * ch, ch)], sem))
            for c in copies:
                c.wait()
            pltpu.sync_copy(rows_v, out_hbm.at[pl.ds(base + r * rb, rb)])

    return k(aug_tbl, order_pad)


def _scatter_body(starts_ref, aug_ref, out_ref):
    b = pl.program_id(0)
    z = pl.program_id(1)
    yb = pl.program_id(2)
    ji = lax.broadcasted_iota(jnp.int32, (_K, 4 * _NX), 1)

    for yp in range(_YB // 4):
        y = yb * _YB + 4 * yp
        s = starts_ref[b, z, y]
        e = starts_ref[b, z, y + 4]
        s0 = (s // 8) * 8
        n = (e - s0 + _K - 1) // _K
        base_key = b * _CELLS + z * _PLANE + y * _NX

        def chunk(i, acc, s0=s0, base_key=base_key):
            off = s0 + i * _K
            rows = aug_ref[pl.ds(off, _K), :]
            keys = rows[:, _KEY_LANE:_KEY_LANE + 1].astype(jnp.int32)
            m = (keys - base_key == ji).astype(jnp.float32)
            feats = rows[:, :_CB]
            return acc + lax.dot_general(
                feats, m, (((0,), (0,)), ((), ())),
                preferred_element_type=jnp.float32)

        acc = lax.fori_loop(0, n, chunk,
                            jnp.zeros((_CB, 4 * _NX), jnp.float32))
        for q in range(4):
            out_ref[0, :, 0, 4 * yp + q, :] = acc[:, q * _NX:(q + 1) * _NX]


def _scatter_tc(aug_sorted, starts):
    return pl.pallas_call(
        _scatter_body,
        grid_spec=pltpu.PrefetchScalarGridSpec(
            num_scalar_prefetch=1,
            grid=(_B, _NZ, _NYB),
            in_specs=[pl.BlockSpec((_NPAD, _D), lambda b, z, yb, *_: (0, 0))],
            out_specs=pl.BlockSpec((1, _CB, 1, _YB, _NX),
                                   lambda b, z, yb, *_: (b, 0, z, yb, 0)),
        ),
        out_shape=jax.ShapeDtypeStruct((_B, _CB, _NZ, _NY, _NX), jnp.float32),
    )(starts, aug_sorted)


def kernel(pillar_features, voxel_coords):
    vc = voxel_coords.astype(jnp.int32)
    key = (vc[:, 0] * _CELLS + vc[:, 1] * _PLANE
           + vc[:, 2] * _NX + vc[:, 3])
    order = jnp.argsort(key).astype(jnp.int32)
    sorted_keys = jnp.sort(key)

    aug = jnp.zeros((_N + 1, _D), jnp.float32)
    aug = aug.at[:_N, :_CB].set(pillar_features)
    aug = aug.at[:_N, _KEY_LANE].set(key.astype(jnp.float32))
    aug = aug.at[_N, _KEY_LANE].set(jnp.float32(_SENT))

    order_pad = jnp.concatenate(
        [order, jnp.full((_NPAD - _N,), _N, jnp.int32)])

    yv = jnp.minimum(jnp.arange(_NY_PAD + 1, dtype=jnp.int32) * _NX, _PLANE)
    bases = (jnp.arange(_B, dtype=jnp.int32)[:, None, None] * _CELLS
             + jnp.arange(_NZ, dtype=jnp.int32)[None, :, None] * _PLANE
             + yv[None, None, :])
    starts = jnp.searchsorted(sorted_keys, bases.ravel(),
                              side="left").astype(jnp.int32)
    starts = starts.reshape(_B, _NZ, _NY_PAD + 1)

    aug_sorted = _sc_gather(aug, order_pad)
    out = _scatter_tc(aug_sorted, starts)
    return out.reshape(_B, _CB * _NZ, _NY, _NX)

# --- scband reference (transcript-rebuilt; emitter-appended) ---
"""Pipeline reference for scband-point-pillar-scatter3d-2860448219531 (READ-ONLY COPY).

The authoritative reference and input builder live on the scoring server;
editing this copy changes nothing except your own understanding.
"""

import jax, jax.numpy as jnp
import numpy as np

NX, NY, NZ = 468, 468, 2
NUM_BEV_FEATURES = 128
C = NUM_BEV_FEATURES // NZ  # 64 features before compression
N = 50000
BATCH = 2


def setup_inputs(seed: int = 0) -> dict:
    key = jax.random.key(seed)
    pillar_features = jax.random.normal(key, (N, C), dtype=jnp.float32)
    # Build realistic voxel coords: per-batch unique spatial cells in a 468x468x2 grid
    rng = np.random.default_rng(0)
    per = N // BATCH
    coords_list = []
    for b in range(BATCH):
        flat = rng.choice(NZ * NY * NX, size=per, replace=False)
        z = flat // (NY * NX)
        rem = flat % (NY * NX)
        y = rem // NX
        x = rem % NX
        bcol = np.full(per, b, dtype=np.int32)
        coords_list.append(np.stack([bcol, z.astype(np.int32), y.astype(np.int32), x.astype(np.int32)], axis=1))
    voxel_coords = jnp.asarray(np.concatenate(coords_list, axis=0), dtype=jnp.int32)
    return {"pillar_features": pillar_features, "voxel_coords": voxel_coords}


def reference(pillar_features, voxel_coords):
    batch_size = BATCH  # setup_inputs always populates exactly BATCH batch ids
    lin_indices = (voxel_coords[:, 1] * (NY * NX)
                   + voxel_coords[:, 2] * NX
                   + voxel_coords[:, 3]).astype(jnp.int32)
    dummy = NZ * NY * NX  # out-of-range slot, sliced away below
    outs = []
    for b in range(batch_size):
        mask = voxel_coords[:, 0] == b
        indices = jnp.where(mask, lin_indices, dummy)
        spatial = jnp.zeros((C, NZ * NY * NX + 1), dtype=pillar_features.dtype)
        spatial = spatial.at[:, indices].set(pillar_features.T)  # scatter-overwrite
        outs.append(spatial[:, :NZ * NY * NX])
    batch_spatial_features = jnp.stack(outs, axis=0)
    batch_spatial_features = batch_spatial_features.reshape(batch_size, C * NZ, NY, NX)
    return batch_spatial_features

if __name__ == "__main__":
    import jax
    _d = setup_inputs()
    print(jax.jit(kernel)(*tuple(_d.values())))

</pallas_src>

<mosaic_0001>
#map = affine_map<(d0, d1) -> (0, 0)>
#map1 = affine_map<(d0, d1) -> (0)>
module attributes {stable_mosaic.version = 14 : i64} {
  func.func @k(%arg0: i32, %arg1: i32, %arg2: memref<50001x128xf32, #tpu.memory_space<hbm>>, %arg3: memref<50176xi32, #tpu.memory_space<hbm>>, %arg4: memref<50176x128xf32, #tpu.memory_space<hbm>>, %arg5: memref<1568xi32, #tpu.memory_space<vmem>>, %arg6: memref<784x128xf32, #tpu.memory_space<vmem>>, %arg7: memref<!tpu.dma_semaphore, #tpu.memory_space<semaphore_mem>>) attributes {dimension_semantics = [#tpu.dimension_semantics<core_parallel>, #tpu.dimension_semantics<subcore_parallel>], iteration_bounds = array<i64: 2, 16>, scalar_prefetch = 0 : i64, scratch_operands = 3 : i64, tpu.core_type = #tpu.core_type<sc_vector_subcore>, window_params = [{transform_indices = #map}, {transform_indices = #map1}, {transform_indices = #map}]} {
    %mul3A = arith.constant 2 : i32
    %mul3A_0 = arith.muli %arg1, %mul3A : i32
    %add3A = arith.addi %mul3A_0, %arg0 : i32
    %mul3A_1 = arith.constant 1568 : i32
    %mul3A_2 = arith.muli %add3A, %mul3A_1 : i32
    "tpu.region"() ({
      %run_scoped3A = tpu.sem_alloc : memref<!tpu.dma_semaphore, #tpu.memory_space<semaphore_mem>>
      %dma_start3A_229 = tpu.memref_slice %arg3[%mul3A_2] : memref<50176xi32, #tpu.memory_space<hbm>> -> memref<1568xi32, #tpu.memory_space<hbm>>
      %dma_start3A_230 = tpu.memref_slice %arg3[%mul3A_2] : memref<50176xi32, #tpu.memory_space<hbm>> -> memref<1568xi32, #tpu.memory_space<hbm>>
      tpu.enqueue_dma source(%dma_start3A_230 : memref<1568xi32, #tpu.memory_space<hbm>>) target(%arg5 : memref<1568xi32, #tpu.memory_space<vmem>>) target_semaphore(%run_scoped3A : memref<!tpu.dma_semaphore, #tpu.memory_space<semaphore_mem>>)
      %dma_wait3A_231 = tpu.memref_slice %arg3[%mul3A_2] : memref<50176xi32, #tpu.memory_space<hbm>> -> memref<1568xi32, #tpu.memory_space<hbm>>
      %dma_wait3A_232 = tpu.memref_slice %arg3[%mul3A_2] : memref<50176xi32, #tpu.memory_space<hbm>> -> memref<1568xi32, #tpu.memory_space<hbm>>
      tpu.wait_dma2 semaphore(%run_scoped3A : memref<!tpu.dma_semaphore, #tpu.memory_space<semaphore_mem>>) src(%dma_wait3A_232 : memref<1568xi32, #tpu.memory_space<hbm>>) dst(%arg5 : memref<1568xi32, #tpu.memory_space<vmem>>)
      tpu.yield
    }) : () -> ()
    %dma_start3A = arith.constant 0 : i32
    %dma_start3A_3 = arith.constant 0 : i32
    %dma_start3A_4 = tpu.memref_slice %arg6[%dma_start3A, %dma_start3A_3] : memref<784x128xf32, #tpu.memory_space<vmem>> -> memref<112x128xf32, #tpu.memory_space<vmem>>
    %dma_start3A_5 = arith.constant 0 : i32
    %dma_start3A_6 = tpu.memref_slice %arg5[%dma_start3A_5] : memref<1568xi32, #tpu.memory_space<vmem>> -> memref<112xi32, #tpu.memory_space<vmem>>
    %dma_start3A_7 = arith.constant 0 : i32
    %dma_start3A_8 = arith.constant 0 : i32
    %dma_start3A_9 = tpu.memref_slice %arg2[%dma_start3A_7, %dma_start3A_8] : memref<50001x128xf32, #tpu.memory_space<hbm>> -> memref<50001x128xf32, #tpu.memory_space<hbm>>
    tpu.enqueue_indirect_dma source(%dma_start3A_9 : memref<50001x128xf32, #tpu.memory_space<hbm>>) target(%dma_start3A_4 : memref<112x128xf32, #tpu.memory_space<vmem>>) offsets(%dma_start3A_6 : memref<112xi32, #tpu.memory_space<vmem>>) semaphore(%arg7 : memref<!tpu.dma_semaphore, #tpu.memory_space<semaphore_mem>>)
    %dma_start3A_10 = arith.constant 112 : i32
    %dma_start3A_11 = arith.constant 0 : i32
    %dma_start3A_12 = tpu.memref_slice %arg6[%dma_start3A_10, %dma_start3A_11] : memref<784x128xf32, #tpu.memory_space<vmem>> -> memref<112x128xf32, #tpu.memory_space<vmem>>
    %dma_start3A_13 = arith.constant 112 : i32
    %dma_start3A_14 = tpu.memref_slice %arg5[%dma_start3A_13] : memref<1568xi32, #tpu.memory_space<vmem>> -> memref<112xi32, #tpu.memory_space<vmem>>
    %dma_start3A_15 = arith.constant 0 : i32
    %dma_start3A_16 = arith.constant 0 : i32
    %dma_start3A_17 = tpu.memref_slice %arg2[%dma_start3A_15, %dma_start3A_16] : memref<50001x128xf32, #tpu.memory_space<hbm>> -> memref<50001x128xf32, #tpu.memory_space<hbm>>
    tpu.enqueue_indirect_dma source(%dma_start3A_17 : memref<50001x128xf32, #tpu.memory_space<hbm>>) target(%dma_start3A_12 : memref<112x128xf32, #tpu.memory_space<vmem>>) offsets(%dma_start3A_14 : memref<112xi32, #tpu.memory_space<vmem>>) semaphore(%arg7 : memref<!tpu.dma_semaphore, #tpu.memory_space<semaphore_mem>>)
    %dma_start3A_18 = arith.constant 224 : i32
    %dma_start3A_19 = arith.constant 0 : i32
    %dma_start3A_20 = tpu.memref_slice %arg6[%dma_start3A_18, %dma_start3A_19] : memref<784x128xf32, #tpu.memory_space<vmem>> -> memref<112x128xf32, #tpu.memory_space<vmem>>
    %dma_start3A_21 = arith.constant 224 : i32
    %dma_start3A_22 = tpu.memref_slice %arg5[%dma_start3A_21] : memref<1568xi32, #tpu.memory_space<vmem>> -> memref<112xi32, #tpu.memory_space<vmem>>
    %dma_start3A_23 = arith.constant 0 : i32
    %dma_start3A_24 = arith.constant 0 : i32
    %dma_start3A_25 = tpu.memref_slice %arg2[%dma_start3A_23, %dma_start3A_24] : memref<50001x128xf32, #tpu.memory_space<hbm>> -> memref<50001x128xf32, #tpu.memory_space<hbm>>
    tpu.enqueue_indirect_dma source(%dma_start3A_25 : memref<50001x128xf32, #tpu.memory_space<hbm>>) target(%dma_start3A_20 : memref<112x128xf32, #tpu.memory_space<vmem>>) offsets(%dma_start3A_22 : memref<112xi32, #tpu.memory_space<vmem>>) semaphore(%arg7 : memref<!tpu.dma_semaphore, #tpu.memory_space<semaphore_mem>>)
    %dma_start3A_26 = arith.constant 336 : i32
    %dma_start3A_27 = arith.constant 0 : i32
    %dma_start3A_28 = tpu.memref_slice %arg6[%dma_start3A_26, %dma_start3A_27] : memref<784x128xf32, #tpu.memory_space<vmem>> -> memref<112x128xf32, #tpu.memory_space<vmem>>
    %dma_start3A_29 = arith.constant 336 : i32
    %dma_start3A_30 = tpu.memref_slice %arg5[%dma_start3A_29] : memref<1568xi32, #tpu.memory_space<vmem>> -> memref<112xi32, #tpu.memory_space<vmem>>
    %dma_start3A_31 = arith.constant 0 : i32
    %dma_start3A_32 = arith.constant 0 : i32
    %dma_start3A_33 = tpu.memref_slice %arg2[%dma_start3A_31, %dma_start3A_32] : memref<50001x128xf32, #tpu.memory_space<hbm>> -> memref<50001x128xf32, #tpu.memory_space<hbm>>
    tpu.enqueue_indirect_dma source(%dma_start3A_33 : memref<50001x128xf32, #tpu.memory_space<hbm>>) target(%dma_start3A_28 : memref<112x128xf32, #tpu.memory_space<vmem>>) offsets(%dma_start3A_30 : memref<112xi32, #tpu.memory_space<vmem>>) semaphore(%arg7 : memref<!tpu.dma_semaphore, #tpu.memory_space<semaphore_mem>>)
    %dma_start3A_34 = arith.constant 448 : i32
    %dma_start3A_35 = arith.constant 0 : i32
    %dma_start3A_36 = tpu.memref_slice %arg6[%dma_start3A_34, %dma_start3A_35] : memref<784x128xf32, #tpu.memory_space<vmem>> -> memref<112x128xf32, #tpu.memory_space<vmem>>
    %dma_start3A_37 = arith.constant 448 : i32
    %dma_start3A_38 = tpu.memref_slice %arg5[%dma_start3A_37] : memref<1568xi32, #tpu.memory_space<vmem>> -> memref<112xi32, #tpu.memory_space<vmem>>
    %dma_start3A_39 = arith.constant 0 : i32
    %dma_start3A_40 = arith.constant 0 : i32
    %dma_start3A_41 = tpu.memref_slice %arg2[%dma_start3A_39, %dma_start3A_40] : memref<50001x128xf32, #tpu.memory_space<hbm>> -> memref<50001x128xf32, #tpu.memory_space<hbm>>
    tpu.enqueue_indirect_dma source(%dma_start3A_41 : memref<50001x128xf32, #tpu.memory_space<hbm>>) target(%dma_start3A_36 : memref<112x128xf32, #tpu.memory_space<vmem>>) offsets(%dma_start3A_38 : memref<112xi32, #tpu.memory_space<vmem>>) semaphore(%arg7 : memref<!tpu.dma_semaphore, #tpu.memory_space<semaphore_mem>>)
    %dma_start3A_42 = arith.constant 560 : i32
    %dma_start3A_43 = arith.constant 0 : i32
    %dma_start3A_44 = tpu.memref_slice %arg6[%dma_start3A_42, %dma_start3A_43] : memref<784x128xf32, #tpu.memory_space<vmem>> -> memref<112x128xf32, #tpu.memory_space<vmem>>
    %dma_start3A_45 = arith.constant 560 : i32
    %dma_start3A_46 = tpu.memref_slice %arg5[%dma_start3A_45] : memref<1568xi32, #tpu.memory_space<vmem>> -> memref<112xi32, #tpu.memory_space<vmem>>
    %dma_start3A_47 = arith.constant 0 : i32
    %dma_start3A_48 = arith.constant 0 : i32
    %dma_start3A_49 = tpu.memref_slice %arg2[%dma_start3A_47, %dma_start3A_48] : memref<50001x128xf32, #tpu.memory_space<hbm>> -> memref<50001x128xf32, #tpu.memory_space<hbm>>
    tpu.enqueue_indirect_dma source(%dma_start3A_49 : memref<50001x128xf32, #tpu.memory_space<hbm>>) target(%dma_start3A_44 : memref<112x128xf32, #tpu.memory_space<vmem>>) offsets(%dma_start3A_46 : memref<112xi32, #tpu.memory_space<vmem>>) semaphore(%arg7 : memref<!tpu.dma_semaphore, #tpu.memory_space<semaphore_mem>>)
    %dma_start3A_50 = arith.constant 672 : i32
    %dma_start3A_51 = arith.constant 0 : i32
    %dma_start3A_52 = tpu.memref_slice %arg6[%dma_start3A_50, %dma_start3A_51] : memref<784x128xf32, #tpu.memory_space<vmem>> -> memref<112x128xf32, #tpu.memory_space<vmem>>
    %dma_start3A_53 = arith.constant 672 : i32
    %dma_start3A_54 = tpu.memref_slice %arg5[%dma_start3A_53] : memref<1568xi32, #tpu.memory_space<vmem>> -> memref<112xi32, #tpu.memory_space<vmem>>
    %dma_start3A_55 = arith.constant 0 : i32
    %dma_start3A_56 = arith.constant 0 : i32
    %dma_start3A_57 = tpu.memref_slice %arg2[%dma_start3A_55, %dma_start3A_56] : memref<50001x128xf32, #tpu.memory_space<hbm>> -> memref<50001x128xf32, #tpu.memory_space<hbm>>
    tpu.enqueue_indirect_dma source(%dma_start3A_57 : memref<50001x128xf32, #tpu.memory_space<hbm>>) target(%dma_start3A_52 : memref<112x128xf32, #tpu.memory_space<vmem>>) offsets(%dma_start3A_54 : memref<112xi32, #tpu.memory_space<vmem>>) semaphore(%arg7 : memref<!tpu.dma_semaphore, #tpu.memory_space<semaphore_mem>>)
    %dma_wait3A = arith.constant 0 : i32
    %dma_wait3A_58 = arith.constant 0 : i32
    %dma_wait3A_59 = tpu.memref_slice %arg6[%dma_wait3A, %dma_wait3A_58] : memref<784x128xf32, #tpu.memory_space<vmem>> -> memref<112x128xf32, #tpu.memory_space<vmem>>
    %dma_wait3A_60 = arith.constant 0 : i32
    %dma_wait3A_61 = tpu.memref_slice %arg5[%dma_wait3A_60] : memref<1568xi32, #tpu.memory_space<vmem>> -> memref<112xi32, #tpu.memory_space<vmem>>
    %dma_wait3A_62 = arith.constant 0 : i32
    %dma_wait3A_63 = arith.constant 0 : i32
    %dma_wait3A_64 = tpu.memref_slice %arg2[%dma_wait3A_62, %dma_wait3A_63] : memref<50001x128xf32, #tpu.memory_space<hbm>> -> memref<50001x128xf32, #tpu.memory_space<hbm>>
    tpu.wait_indirect_dma semaphore(%arg7 : memref<!tpu.dma_semaphore, #tpu.memory_space<semaphore_mem>>) src(%dma_wait3A_64 : memref<50001x128xf32, #tpu.memory_space<hbm>>) dst(%dma_wait3A_59 : memref<112x128xf32, #tpu.memory_space<vmem>>)
    %dma_wait3A_65 = arith.constant 112 : i32
    %dma_wait3A_66 = arith.constant 0 : i32
    %dma_wait3A_67 = tpu.memref_slice %arg6[%dma_wait3A_65, %dma_wait3A_66] : memref<784x128xf32, #tpu.memory_space<vmem>> -> memref<112x128xf32, #tpu.memory_space<vmem>>
    %dma_wait3A_68 = arith.constant 112 : i32
    %dma_wait3A_69 = tpu.memref_slice %arg5[%dma_wait3A_68] : memref<1568xi32, #tpu.memory_space<vmem>> -> memref<112xi32, #tpu.memory_space<vmem>>
    %dma_wait3A_70 = arith.constant 0 : i32
    %dma_wait3A_71 = arith.constant 0 : i32
    %dma_wait3A_72 = tpu.memref_slice %arg2[%dma_wait3A_70, %dma_wait3A_71] : memref<50001x128xf32, #tpu.memory_space<hbm>> -> memref<50001x128xf32, #tpu.memory_space<hbm>>
    tpu.wait_indirect_dma semaphore(%arg7 : memref<!tpu.dma_semaphore, #tpu.memory_space<semaphore_mem>>) src(%dma_wait3A_72 : memref<50001x128xf32, #tpu.memory_space<hbm>>) dst(%dma_wait3A_67 : memref<112x128xf32, #tpu.memory_space<vmem>>)
    %dma_wait3A_73 = arith.constant 224 : i32
    %dma_wait3A_74 = arith.constant 0 : i32
    %dma_wait3A_75 = tpu.memref_slice %arg6[%dma_wait3A_73, %dma_wait3A_74] : memref<784x128xf32, #tpu.memory_space<vmem>> -> memref<112x128xf32, #tpu.memory_space<vmem>>
    %dma_wait3A_76 = arith.constant 224 : i32
    %dma_wait3A_77 = tpu.memref_slice %arg5[%dma_wait3A_76] : memref<1568xi32, #tpu.memory_space<vmem>> -> memref<112xi32, #tpu.memory_space<vmem>>
    %dma_wait3A_78 = arith.constant 0 : i32
    %dma_wait3A_79 = arith.constant 0 : i32
    %dma_wait3A_80 = tpu.memref_slice %arg2[%dma_wait3A_78, %dma_wait3A_79] : memref<50001x128xf32, #tpu.memory_space<hbm>> -> memref<50001x128xf32, #tpu.memory_space<hbm>>
    tpu.wait_indirect_dma semaphore(%arg7 : memref<!tpu.dma_semaphore, #tpu.memory_space<semaphore_mem>>) src(%dma_wait3A_80 : memref<50001x128xf32, #tpu.memory_space<hbm>>) dst(%dma_wait3A_75 : memref<112x128xf32, #tpu.memory_space<vmem>>)
    %dma_wait3A_81 = arith.constant 336 : i32
    %dma_wait3A_82 = arith.constant 0 : i32
    %dma_wait3A_83 = tpu.memref_slice %arg6[%dma_wait3A_81, %dma_wait3A_82] : memref<784x128xf32, #tpu.memory_space<vmem>> -> memref<112x128xf32, #tpu.memory_space<vmem>>
    %dma_wait3A_84 = arith.constant 336 : i32
    %dma_wait3A_85 = tpu.memref_slice %arg5[%dma_wait3A_84] : memref<1568xi32, #tpu.memory_space<vmem>> -> memref<112xi32, #tpu.memory_space<vmem>>
    %dma_wait3A_86 = arith.constant 0 : i32
    %dma_wait3A_87 = arith.constant 0 : i32
    %dma_wait3A_88 = tpu.memref_slice %arg2[%dma_wait3A_86, %dma_wait3A_87] : memref<50001x128xf32, #tpu.memory_space<hbm>> -> memref<50001x128xf32, #tpu.memory_space<hbm>>
    tpu.wait_indirect_dma semaphore(%arg7 : memref<!tpu.dma_semaphore, #tpu.memory_space<semaphore_mem>>) src(%dma_wait3A_88 : memref<50001x128xf32, #tpu.memory_space<hbm>>) dst(%dma_wait3A_83 : memref<112x128xf32, #tpu.memory_space<vmem>>)
    %dma_wait3A_89 = arith.constant 448 : i32
    %dma_wait3A_90 = arith.constant 0 : i32
    %dma_wait3A_91 = tpu.memref_slice %arg6[%dma_wait3A_89, %dma_wait3A_90] : memref<784x128xf32, #tpu.memory_space<vmem>> -> memref<112x128xf32, #tpu.memory_space<vmem>>
    %dma_wait3A_92 = arith.constant 448 : i32
    %dma_wait3A_93 = tpu.memref_slice %arg5[%dma_wait3A_92] : memref<1568xi32, #tpu.memory_space<vmem>> -> memref<112xi32, #tpu.memory_space<vmem>>
    %dma_wait3A_94 = arith.constant 0 : i32
    %dma_wait3A_95 = arith.constant 0 : i32
    %dma_wait3A_96 = tpu.memref_slice %arg2[%dma_wait3A_94, %dma_wait3A_95] : memref<50001x128xf32, #tpu.memory_space<hbm>> -> memref<50001x128xf32, #tpu.memory_space<hbm>>
    tpu.wait_indirect_dma semaphore(%arg7 : memref<!tpu.dma_semaphore, #tpu.memory_space<semaphore_mem>>) src(%dma_wait3A_96 : memref<50001x128xf32, #tpu.memory_space<hbm>>) dst(%dma_wait3A_91 : memref<112x128xf32, #tpu.memory_space<vmem>>)
    %dma_wait3A_97 = arith.constant 560 : i32
    %dma_wait3A_98 = arith.constant 0 : i32
    %dma_wait3A_99 = tpu.memref_slice %arg6[%dma_wait3A_97, %dma_wait3A_98] : memref<784x128xf32, #tpu.memory_space<vmem>> -> memref<112x128xf32, #tpu.memory_space<vmem>>
    %dma_wait3A_100 = arith.constant 560 : i32
    %dma_wait3A_101 = tpu.memref_slice %arg5[%dma_wait3A_100] : memref<1568xi32, #tpu.memory_space<vmem>> -> memref<112xi32, #tpu.memory_space<vmem>>
    %dma_wait3A_102 = arith.constant 0 : i32
    %dma_wait3A_103 = arith.constant 0 : i32
    %dma_wait3A_104 = tpu.memref_slice %arg2[%dma_wait3A_102, %dma_wait3A_103] : memref<50001x128xf32, #tpu.memory_space<hbm>> -> memref<50001x128xf32, #tpu.memory_space<hbm>>
    tpu.wait_indirect_dma semaphore(%arg7 : memref<!tpu.dma_semaphore, #tpu.memory_space<semaphore_mem>>) src(%dma_wait3A_104 : memref<50001x128xf32, #tpu.memory_space<hbm>>) dst(%dma_wait3A_99 : memref<112x128xf32, #tpu.memory_space<vmem>>)
    %dma_wait3A_105 = arith.constant 672 : i32
    %dma_wait3A_106 = arith.constant 0 : i32
    %dma_wait3A_107 = tpu.memref_slice %arg6[%dma_wait3A_105, %dma_wait3A_106] : memref<784x128xf32, #tpu.memory_space<vmem>> -> memref<112x128xf32, #tpu.memory_space<vmem>>
    %dma_wait3A_108 = arith.constant 672 : i32
    %dma_wait3A_109 = tpu.memref_slice %arg5[%dma_wait3A_108] : memref<1568xi32, #tpu.memory_space<vmem>> -> memref<112xi32, #tpu.memory_space<vmem>>
    %dma_wait3A_110 = arith.constant 0 : i32
    %dma_wait3A_111 = arith.constant 0 : i32
    %dma_wait3A_112 = tpu.memref_slice %arg2[%dma_wait3A_110, %dma_wait3A_111] : memref<50001x128xf32, #tpu.memory_space<hbm>> -> memref<50001x128xf32, #tpu.memory_space<hbm>>
    tpu.wait_indirect_dma semaphore(%arg7 : memref<!tpu.dma_semaphore, #tpu.memory_space<semaphore_mem>>) src(%dma_wait3A_112 : memref<50001x128xf32, #tpu.memory_space<hbm>>) dst(%dma_wait3A_107 : memref<112x128xf32, #tpu.memory_space<vmem>>)
    %add3A_113 = arith.constant 0 : i32
    %add3A_114 = arith.addi %mul3A_2, %add3A_113 : i32
    "tpu.region"() ({
      %run_scoped3A = tpu.sem_alloc : memref<!tpu.dma_semaphore, #tpu.memory_space<semaphore_mem>>
      %dma_start3A_229 = arith.constant 0 : i32
      %dma_start3A_230 = tpu.memref_slice %arg4[%add3A_114, %dma_start3A_229] : memref<50176x128xf32, #tpu.memory_space<hbm>> -> memref<784x128xf32, #tpu.memory_space<hbm>>
      %dma_start3A_231 = arith.constant 0 : i32
      %dma_start3A_232 = tpu.memref_slice %arg4[%add3A_114, %dma_start3A_231] : memref<50176x128xf32, #tpu.memory_space<hbm>> -> memref<784x128xf32, #tpu.memory_space<hbm>>
      tpu.enqueue_dma source(%arg6 : memref<784x128xf32, #tpu.memory_space<vmem>>) target(%dma_start3A_232 : memref<784x128xf32, #tpu.memory_space<hbm>>) target_semaphore(%run_scoped3A : memref<!tpu.dma_semaphore, #tpu.memory_space<semaphore_mem>>)
      %dma_wait3A_233 = arith.constant 0 : i32
      %dma_wait3A_234 = tpu.memref_slice %arg4[%add3A_114, %dma_wait3A_233] : memref<50176x128xf32, #tpu.memory_space<hbm>> -> memref<784x128xf32, #tpu.memory_space<hbm>>
      %dma_wait3A_235 = arith.constant 0 : i32
      %dma_wait3A_236 = tpu.memref_slice %arg4[%add3A_114, %dma_wait3A_235] : memref<50176x128xf32, #tpu.memory_space<hbm>> -> memref<784x128xf32, #tpu.memory_space<hbm>>
      tpu.wait_dma2 semaphore(%run_scoped3A : memref<!tpu.dma_semaphore, #tpu.memory_space<semaphore_mem>>) src(%arg6 : memref<784x128xf32, #tpu.memory_space<vmem>>) dst(%dma_wait3A_236 : memref<784x128xf32, #tpu.memory_space<hbm>>)
      tpu.yield
    }) : () -> ()
    %dma_start3A_115 = arith.constant 0 : i32
    %dma_start3A_116 = arith.constant 0 : i32
    %dma_start3A_117 = tpu.memref_slice %arg6[%dma_start3A_115, %dma_start3A_116] : memref<784x128xf32, #tpu.memory_space<vmem>> -> memref<112x128xf32, #tpu.memory_space<vmem>>
    %dma_start3A_118 = arith.constant 784 : i32
    %dma_start3A_119 = tpu.memref_slice %arg5[%dma_start3A_118] : memref<1568xi32, #tpu.memory_space<vmem>> -> memref<112xi32, #tpu.memory_space<vmem>>
    %dma_start3A_120 = arith.constant 0 : i32
    %dma_start3A_121 = arith.constant 0 : i32
    %dma_start3A_122 = tpu.memref_slice %arg2[%dma_start3A_120, %dma_start3A_121] : memref<50001x128xf32, #tpu.memory_space<hbm>> -> memref<50001x128xf32, #tpu.memory_space<hbm>>
    tpu.enqueue_indirect_dma source(%dma_start3A_122 : memref<50001x128xf32, #tpu.memory_space<hbm>>) target(%dma_start3A_117 : memref<112x128xf32, #tpu.memory_space<vmem>>) offsets(%dma_start3A_119 : memref<112xi32, #tpu.memory_space<vmem>>) semaphore(%arg7 : memref<!tpu.dma_semaphore, #tpu.memory_space<semaphore_mem>>)
    %dma_start3A_123 = arith.constant 112 : i32
    %dma_start3A_124 = arith.constant 0 : i32
    %dma_start3A_125 = tpu.memref_slice %arg6[%dma_start3A_123, %dma_start3A_124] : memref<784x128xf32, #tpu.memory_space<vmem>> -> memref<112x128xf32, #tpu.memory_space<vmem>>
    %dma_start3A_126 = arith.constant 896 : i32
    %dma_start3A_127 = tpu.memref_slice %arg5[%dma_start3A_126] : memref<1568xi32, #tpu.memory_space<vmem>> -> memref<112xi32, #tpu.memory_space<vmem>>
    %dma_start3A_128 = arith.constant 0 : i32
    %dma_start3A_129 = arith.constant 0 : i32
    %dma_start3A_130 = tpu.memref_slice %arg2[%dma_start3A_128, %dma_start3A_129] : memref<50001x128xf32, #tpu.memory_space<hbm>> -> memref<50001x128xf32, #tpu.memory_space<hbm>>
    tpu.enqueue_indirect_dma source(%dma_start3A_130 : memref<50001x128xf32, #tpu.memory_space<hbm>>) target(%dma_start3A_125 : memref<112x128xf32, #tpu.memory_space<vmem>>) offsets(%dma_start3A_127 : memref<112xi32, #tpu.memory_space<vmem>>) semaphore(%arg7 : memref<!tpu.dma_semaphore, #tpu.memory_space<semaphore_mem>>)
    %dma_start3A_131 = arith.constant 224 : i32
    %dma_start3A_132 = arith.constant 0 : i32
    %dma_start3A_133 = tpu.memref_slice %arg6[%dma_start3A_131, %dma_start3A_132] : memref<784x128xf32, #tpu.memory_space<vmem>> -> memref<112x128xf32, #tpu.memory_space<vmem>>
    %dma_start3A_134 = arith.constant 1008 : i32
    %dma_start3A_135 = tpu.memref_slice %arg5[%dma_start3A_134] : memref<1568xi32, #tpu.memory_space<vmem>> -> memref<112xi32, #tpu.memory_space<vmem>>
    %dma_start3A_136 = arith.constant 0 : i32
    %dma_start3A_137 = arith.constant 0 : i32
    %dma_start3A_138 = tpu.memref_slice %arg2[%dma_start3A_136, %dma_start3A_137] : memref<50001x128xf32, #tpu.memory_space<hbm>> -> memref<50001x128xf32, #tpu.memory_space<hbm>>
    tpu.enqueue_indirect_dma source(%dma_start3A_138 : memref<50001x128xf32, #tpu.memory_space<hbm>>) target(%dma_start3A_133 : memref<112x128xf32, #tpu.memory_space<vmem>>) offsets(%dma_start3A_135 : memref<112xi32, #tpu.memory_space<vmem>>) semaphore(%arg7 : memref<!tpu.dma_semaphore, #tpu.memory_space<semaphore_mem>>)
    %dma_start3A_139 = arith.constant 336 : i32
    %dma_start3A_140 = arith.constant 0 : i32
    %dma_start3A_141 = tpu.memref_slice %arg6[%dma_start3A_139, %dma_start3A_140] : memref<784x128xf32, #tpu.memory_space<vmem>> -> memref<112x128xf32, #tpu.memory_space<vmem>>
    %dma_start3A_142 = arith.constant 1120 : i32
    %dma_start3A_143 = tpu.memref_slice %arg5[%dma_start3A_142] : memref<1568xi32, #tpu.memory_space<vmem>> -> memref<112xi32, #tpu.memory_space<vmem>>
    %dma_start3A_144 = arith.constant 0 : i32
    %dma_start3A_145 = arith.constant 0 : i32
    %dma_start3A_146 = tpu.memref_slice %arg2[%dma_start3A_144, %dma_start3A_145] : memref<50001x128xf32, #tpu.memory_space<hbm>> -> memref<50001x128xf32, #tpu.memory_space<hbm>>
    tpu.enqueue_indirect_dma source(%dma_start3A_146 : memref<50001x128xf32, #tpu.memory_space<hbm>>) target(%dma_start3A_141 : memref<112x128xf32, #tpu.memory_space<vmem>>) offsets(%dma_start3A_143 : memref<112xi32, #tpu.memory_space<vmem>>) semaphore(%arg7 : memref<!tpu.dma_semaphore, #tpu.memory_space<semaphore_mem>>)
    %dma_start3A_147 = arith.constant 448 : i32
    %dma_start3A_148 = arith.constant 0 : i32
    %dma_start3A_149 = tpu.memref_slice %arg6[%dma_start3A_147, %dma_start3A_148] : memref<784x128xf32, #tpu.memory_space<vmem>> -> memref<112x128xf32, #tpu.memory_space<vmem>>
    %dma_start3A_150 = arith.constant 1232 : i32
    %dma_start3A_151 = tpu.memref_slice %arg5[%dma_start3A_150] : memref<1568xi32, #tpu.memory_space<vmem>> -> memref<112xi32, #tpu.memory_space<vmem>>
    %dma_start3A_152 = arith.constant 0 : i32
    %dma_start3A_153 = arith.constant 0 : i32
    %dma_start3A_154 = tpu.memref_slice %arg2[%dma_start3A_152, %dma_start3A_153] : memref<50001x128xf32, #tpu.memory_space<hbm>> -> memref<50001x128xf32, #tpu.memory_space<hbm>>
    tpu.enqueue_indirect_dma source(%dma_start3A_154 : memref<50001x128xf32, #tpu.memory_space<hbm>>) target(%dma_start3A_149 : memref<112x128xf32, #tpu.memory_space<vmem>>) offsets(%dma_start3A_151 : memref<112xi32, #tpu.memory_space<vmem>>) semaphore(%arg7 : memref<!tpu.dma_semaphore, #tpu.memory_space<semaphore_mem>>)
    %dma_start3A_155 = arith.constant 560 : i32
    %dma_start3A_156 = arith.constant 0 : i32
    %dma_start3A_157 = tpu.memref_slice %arg6[%dma_start3A_155, %dma_start3A_156] : memref<784x128xf32, #tpu.memory_space<vmem>> -> memref<112x128xf32, #tpu.memory_space<vmem>>
    %dma_start3A_158 = arith.constant 1344 : i32
    %dma_start3A_159 = tpu.memref_slice %arg5[%dma_start3A_158] : memref<1568xi32, #tpu.memory_space<vmem>> -> memref<112xi32, #tpu.memory_space<vmem>>
    %dma_start3A_160 = arith.constant 0 : i32
    %dma_start3A_161 = arith.constant 0 : i32
    %dma_start3A_162 = tpu.memref_slice %arg2[%dma_start3A_160, %dma_start3A_161] : memref<50001x128xf32, #tpu.memory_space<hbm>> -> memref<50001x128xf32, #tpu.memory_space<hbm>>
    tpu.enqueue_indirect_dma source(%dma_start3A_162 : memref<50001x128xf32, #tpu.memory_space<hbm>>) target(%dma_start3A_157 : memref<112x128xf32, #tpu.memory_space<vmem>>) offsets(%dma_start3A_159 : memref<112xi32, #tpu.memory_space<vmem>>) semaphore(%arg7 : memref<!tpu.dma_semaphore, #tpu.memory_space<semaphore_mem>>)
    %dma_start3A_163 = arith.constant 672 : i32
    %dma_start3A_164 = arith.constant 0 : i32
    %dma_start3A_165 = tpu.memref_slice %arg6[%dma_start3A_163, %dma_start3A_164] : memref<784x128xf32, #tpu.memory_space<vmem>> -> memref<112x128xf32, #tpu.memory_space<vmem>>
    %dma_start3A_166 = arith.constant 1456 : i32
    %dma_start3A_167 = tpu.memref_slice %arg5[%dma_start3A_166] : memref<1568xi32, #tpu.memory_space<vmem>> -> memref<112xi32, #tpu.memory_space<vmem>>
    %dma_start3A_168 = arith.constant 0 : i32
    %dma_start3A_169 = arith.constant 0 : i32
    %dma_start3A_170 = tpu.memref_slice %arg2[%dma_start3A_168, %dma_start3A_169] : memref<50001x128xf32, #tpu.memory_space<hbm>> -> memref<50001x128xf32, #tpu.memory_space<hbm>>
    tpu.enqueue_indirect_dma source(%dma_start3A_170 : memref<50001x128xf32, #tpu.memory_space<hbm>>) target(%dma_start3A_165 : memref<112x128xf32, #tpu.memory_space<vmem>>) offsets(%dma_start3A_167 : memref<112xi32, #tpu.memory_space<vmem>>) semaphore(%arg7 : memref<!tpu.dma_semaphore, #tpu.memory_space<semaphore_mem>>)
    %dma_wait3A_171 = arith.constant 0 : i32
    %dma_wait3A_172 = arith.constant 0 : i32
    %dma_wait3A_173 = tpu.memref_slice %arg6[%dma_wait3A_171, %dma_wait3A_172] : memref<784x128xf32, #tpu.memory_space<vmem>> -> memref<112x128xf32, #tpu.memory_space<vmem>>
    %dma_wait3A_174 = arith.constant 784 : i32
    %dma_wait3A_175 = tpu.memref_slice %arg5[%dma_wait3A_174] : memref<1568xi32, #tpu.memory_space<vmem>> -> memref<112xi32, #tpu.memory_space<vmem>>
    %dma_wait3A_176 = arith.constant 0 : i32
    %dma_wait3A_177 = arith.constant 0 : i32
    %dma_wait3A_178 = tpu.memref_slice %arg2[%dma_wait3A_176, %dma_wait3A_177] : memref<50001x128xf32, #tpu.memory_space<hbm>> -> memref<50001x128xf32, #tpu.memory_space<hbm>>
    tpu.wait_indirect_dma semaphore(%arg7 : memref<!tpu.dma_semaphore, #tpu.memory_space<semaphore_mem>>) src(%dma_wait3A_178 : memref<50001x128xf32, #tpu.memory_space<hbm>>) dst(%dma_wait3A_173 : memref<112x128xf32, #tpu.memory_space<vmem>>)
    %dma_wait3A_179 = arith.constant 112 : i32
    %dma_wait3A_180 = arith.constant 0 : i32
    %dma_wait3A_181 = tpu.memref_slice %arg6[%dma_wait3A_179, %dma_wait3A_180] : memref<784x128xf32, #tpu.memory_space<vmem>> -> memref<112x128xf32, #tpu.memory_space<vmem>>
    %dma_wait3A_182 = arith.constant 896 : i32
    %dma_wait3A_183 = tpu.memref_slice %arg5[%dma_wait3A_182] : memref<1568xi32, #tpu.memory_space<vmem>> -> memref<112xi32, #tpu.memory_space<vmem>>
    %dma_wait3A_184 = arith.constant 0 : i32
    %dma_wait3A_185 = arith.constant 0 : i32
    %dma_wait3A_186 = tpu.memref_slice %arg2[%dma_wait3A_184, %dma_wait3A_185] : memref<50001x128xf32, #tpu.memory_space<hbm>> -> memref<50001x128xf32, #tpu.memory_space<hbm>>
    tpu.wait_indirect_dma semaphore(%arg7 : memref<!tpu.dma_semaphore, #tpu.memory_space<semaphore_mem>>) src(%dma_wait3A_186 : memref<50001x128xf32, #tpu.memory_space<hbm>>) dst(%dma_wait3A_181 : memref<112x128xf32, #tpu.memory_space<vmem>>)
    %dma_wait3A_187 = arith.constant 224 : i32
    %dma_wait3A_188 = arith.constant 0 : i32
    %dma_wait3A_189 = tpu.memref_slice %arg6[%dma_wait3A_187, %dma_wait3A_188] : memref<784x128xf32, #tpu.memory_space<vmem>> -> memref<112x128xf32, #tpu.memory_space<vmem>>
    %dma_wait3A_190 = arith.constant 1008 : i32
    %dma_wait3A_191 = tpu.memref_slice %arg5[%dma_wait3A_190] : memref<1568xi32, #tpu.memory_space<vmem>> -> memref<112xi32, #tpu.memory_space<vmem>>
    %dma_wait3A_192 = arith.constant 0 : i32
    %dma_wait3A_193 = arith.constant 0 : i32
    %dma_wait3A_194 = tpu.memref_slice %arg2[%dma_wait3A_192, %dma_wait3A_193] : memref<50001x128xf32, #tpu.memory_space<hbm>> -> memref<50001x128xf32, #tpu.memory_space<hbm>>
    tpu.wait_indirect_dma semaphore(%arg7 : memref<!tpu.dma_semaphore, #tpu.memory_space<semaphore_mem>>) src(%dma_wait3A_194 : memref<50001x128xf32, #tpu.memory_space<hbm>>) dst(%dma_wait3A_189 : memref<112x128xf32, #tpu.memory_space<vmem>>)
    %dma_wait3A_195 = arith.constant 336 : i32
    %dma_wait3A_196 = arith.constant 0 : i32
    %dma_wait3A_197 = tpu.memref_slice %arg6[%dma_wait3A_195, %dma_wait3A_196] : memref<784x128xf32, #tpu.memory_space<vmem>> -> memref<112x128xf32, #tpu.memory_space<vmem>>
    %dma_wait3A_198 = arith.constant 1120 : i32
    %dma_wait3A_199 = tpu.memref_slice %arg5[%dma_wait3A_198] : memref<1568xi32, #tpu.memory_space<vmem>> -> memref<112xi32, #tpu.memory_space<vmem>>
    %dma_wait3A_200 = arith.constant 0 : i32
    %dma_wait3A_201 = arith.constant 0 : i32
    %dma_wait3A_202 = tpu.memref_slice %arg2[%dma_wait3A_200, %dma_wait3A_201] : memref<50001x128xf32, #tpu.memory_space<hbm>> -> memref<50001x128xf32, #tpu.memory_space<hbm>>
    tpu.wait_indirect_dma semaphore(%arg7 : memref<!tpu.dma_semaphore, #tpu.memory_space<semaphore_mem>>) src(%dma_wait3A_202 : memref<50001x128xf32, #tpu.memory_space<hbm>>) dst(%dma_wait3A_197 : memref<112x128xf32, #tpu.memory_space<vmem>>)
    %dma_wait3A_203 = arith.constant 448 : i32
    %dma_wait3A_204 = arith.constant 0 : i32
    %dma_wait3A_205 = tpu.memref_slice %arg6[%dma_wait3A_203, %dma_wait3A_204] : memref<784x128xf32, #tpu.memory_space<vmem>> -> memref<112x128xf32, #tpu.memory_space<vmem>>
    %dma_wait3A_206 = arith.constant 1232 : i32
    %dma_wait3A_207 = tpu.memref_slice %arg5[%dma_wait3A_206] : memref<1568xi32, #tpu.memory_space<vmem>> -> memref<112xi32, #tpu.memory_space<vmem>>
    %dma_wait3A_208 = arith.constant 0 : i32
    %dma_wait3A_209 = arith.constant 0 : i32
    %dma_wait3A_210 = tpu.memref_slice %arg2[%dma_wait3A_208, %dma_wait3A_209] : memref<50001x128xf32, #tpu.memory_space<hbm>> -> memref<50001x128xf32, #tpu.memory_space<hbm>>
    tpu.wait_indirect_dma semaphore(%arg7 : memref<!tpu.dma_semaphore, #tpu.memory_space<semaphore_mem>>) src(%dma_wait3A_210 : memref<50001x128xf32, #tpu.memory_space<hbm>>) dst(%dma_wait3A_205 : memref<112x128xf32, #tpu.memory_space<vmem>>)
    %dma_wait3A_211 = arith.constant 560 : i32
    %dma_wait3A_212 = arith.constant 0 : i32
    %dma_wait3A_213 = tpu.memref_slice %arg6[%dma_wait3A_211, %dma_wait3A_212] : memref<784x128xf32, #tpu.memory_space<vmem>> -> memref<112x128xf32, #tpu.memory_space<vmem>>
    %dma_wait3A_214 = arith.constant 1344 : i32
    %dma_wait3A_215 = tpu.memref_slice %arg5[%dma_wait3A_214] : memref<1568xi32, #tpu.memory_space<vmem>> -> memref<112xi32, #tpu.memory_space<vmem>>
    %dma_wait3A_216 = arith.constant 0 : i32
    %dma_wait3A_217 = arith.constant 0 : i32
    %dma_wait3A_218 = tpu.memref_slice %arg2[%dma_wait3A_216, %dma_wait3A_217] : memref<50001x128xf32, #tpu.memory_space<hbm>> -> memref<50001x128xf32, #tpu.memory_space<hbm>>
    tpu.wait_indirect_dma semaphore(%arg7 : memref<!tpu.dma_semaphore, #tpu.memory_space<semaphore_mem>>) src(%dma_wait3A_218 : memref<50001x128xf32, #tpu.memory_space<hbm>>) dst(%dma_wait3A_213 : memref<112x128xf32, #tpu.memory_space<vmem>>)
    %dma_wait3A_219 = arith.constant 672 : i32
    %dma_wait3A_220 = arith.constant 0 : i32
    %dma_wait3A_221 = tpu.memref_slice %arg6[%dma_wait3A_219, %dma_wait3A_220] : memref<784x128xf32, #tpu.memory_space<vmem>> -> memref<112x128xf32, #tpu.memory_space<vmem>>
    %dma_wait3A_222 = arith.constant 1456 : i32
    %dma_wait3A_223 = tpu.memref_slice %arg5[%dma_wait3A_222] : memref<1568xi32, #tpu.memory_space<vmem>> -> memref<112xi32, #tpu.memory_space<vmem>>
    %dma_wait3A_224 = arith.constant 0 : i32
    %dma_wait3A_225 = arith.constant 0 : i32
    %dma_wait3A_226 = tpu.memref_slice %arg2[%dma_wait3A_224, %dma_wait3A_225] : memref<50001x128xf32, #tpu.memory_space<hbm>> -> memref<50001x128xf32, #tpu.memory_space<hbm>>
    tpu.wait_indirect_dma semaphore(%arg7 : memref<!tpu.dma_semaphore, #tpu.memory_space<semaphore_mem>>) src(%dma_wait3A_226 : memref<50001x128xf32, #tpu.memory_space<hbm>>) dst(%dma_wait3A_221 : memref<112x128xf32, #tpu.memory_space<vmem>>)
    %add3A_227 = arith.constant 784 : i32
    %add3A_228 = arith.addi %mul3A_2, %add3A_227 : i32
    "tpu.region"() ({
      %run_scoped3A = tpu.sem_alloc : memref<!tpu.dma_semaphore, #tpu.memory_space<semaphore_mem>>
      %dma_start3A_229 = arith.constant 0 : i32
      %dma_start3A_230 = tpu.memref_slice %arg4[%add3A_228, %dma_start3A_229] : memref<50176x128xf32, #tpu.memory_space<hbm>> -> memref<784x128xf32, #tpu.memory_space<hbm>>
      %dma_start3A_231 = arith.constant 0 : i32
      %dma_start3A_232 = tpu.memref_slice %arg4[%add3A_228, %dma_start3A_231] : memref<50176x128xf32, #tpu.memory_space<hbm>> -> memref<784x128xf32, #tpu.memory_space<hbm>>
      tpu.enqueue_dma source(%arg6 : memref<784x128xf32, #tpu.memory_space<vmem>>) target(%dma_start3A_232 : memref<784x128xf32, #tpu.memory_space<hbm>>) target_semaphore(%run_scoped3A : memref<!tpu.dma_semaphore, #tpu.memory_space<semaphore_mem>>)
      %dma_wait3A_233 = arith.constant 0 : i32
      %dma_wait3A_234 = tpu.memref_slice %arg4[%add3A_228, %dma_wait3A_233] : memref<50176x128xf32, #tpu.memory_space<hbm>> -> memref<784x128xf32, #tpu.memory_space<hbm>>
      %dma_wait3A_235 = arith.constant 0 : i32
      %dma_wait3A_236 = tpu.memref_slice %arg4[%add3A_228, %dma_wait3A_235] : memref<50176x128xf32, #tpu.memory_space<hbm>> -> memref<784x128xf32, #tpu.memory_space<hbm>>
      tpu.wait_dma2 semaphore(%run_scoped3A : memref<!tpu.dma_semaphore, #tpu.memory_space<semaphore_mem>>) src(%arg6 : memref<784x128xf32, #tpu.memory_space<vmem>>) dst(%dma_wait3A_236 : memref<784x128xf32, #tpu.memory_space<hbm>>)
      tpu.yield
    }) : () -> ()
    return
  }
}

module attributes {stable_mosaic.version = 14 : i64} {
  func.func @_scatter_body(%arg0: i32, %arg1: i32, %arg2: i32, %arg3: memref<2x2x481xi32, #tpu.memory_space<smem>>, %arg4: memref<50176x128xf32, #tpu.memory_space<vmem>>, %arg5: memref<1x64x1x16x468xf32, #tpu.memory_space<vmem>>) attributes {dimension_semantics = [#tpu.dimension_semantics<arbitrary>, #tpu.dimension_semantics<arbitrary>, #tpu.dimension_semantics<arbitrary>], iteration_bounds = array<i64: 2, 2, 30>, scalar_prefetch = 1 : i64, scratch_operands = 0 : i64, tpu.core_type = #tpu.core_type<tc>, window_params = [{pipeline_mode = #tpu.pipeline_mode<synchronous>, transform_indices = @transform_0, window_bounds = array<i64: 50176, 128>}, {transform_indices = @transform_1, window_bounds = array<i64: 1, 64, 1, 16, 468>}]} {
    %iota3A = tpu.iota {dimensions = array<i32: 1>} : vector<128x1872xi32>
    %mul3A = arith.constant 16 : i32
    %mul3A_0 = arith.muli %arg2, %mul3A : i32
    %add3A = arith.constant 0 : i32
    %add3A_1 = arith.addi %mul3A_0, %add3A : i32
    %get3A = arith.index_cast %arg0 : i32 to index
    %get3A_2 = arith.index_cast %arg1 : i32 to index
    %get3A_3 = arith.index_cast %add3A_1 : i32 to index
    %get3A_4 = memref.load %arg3[%get3A, %get3A_2, %get3A_3] : memref<2x2x481xi32, #tpu.memory_space<smem>>
    %add3A_5 = arith.constant 4 : i32
    %add3A_6 = arith.addi %add3A_1, %add3A_5 : i32
    %get3A_7 = arith.index_cast %arg0 : i32 to index
    %get3A_8 = arith.index_cast %arg1 : i32 to index
    %get3A_9 = arith.index_cast %add3A_6 : i32 to index
    %get3A_10 = memref.load %arg3[%get3A_7, %get3A_8, %get3A_9] : memref<2x2x481xi32, #tpu.memory_space<smem>>
    %jit3A = arith.constant 8 : i32
    %div3A = arith.divsi %get3A_4, %jit3A : i32
    %sign3A = arith.constant 0 : i32
    %sign3A_11 = arith.cmpi sgt, %get3A_4, %sign3A : i32
    %sign3A_12 = arith.extui %sign3A_11 : i1 to i32
    %sign3A_13 = arith.constant 0 : i32
    %sign3A_14 = arith.cmpi slt, %get3A_4, %sign3A_13 : i32
    %sign3A_15 = arith.extui %sign3A_14 : i1 to i32
    %sign3A_16 = arith.subi %sign3A_12, %sign3A_15 : i32
    %sign3A_17 = arith.constant 0 : i32
    %sign3A_18 = arith.cmpi sgt, %jit3A, %sign3A_17 : i32
    %sign3A_19 = arith.extui %sign3A_18 : i1 to i32
    %sign3A_20 = arith.constant 0 : i32
    %sign3A_21 = arith.cmpi slt, %jit3A, %sign3A_20 : i32
    %sign3A_22 = arith.extui %sign3A_21 : i1 to i32
    %sign3A_23 = arith.subi %sign3A_19, %sign3A_22 : i32
    %ne3A = arith.cmpi ne, %sign3A_16, %sign3A_23 : i32
    %rem3A = arith.remsi %get3A_4, %jit3A : i32
    %ne3A_24 = arith.constant 0 : i32
    %ne3A_25 = arith.cmpi ne, %rem3A, %ne3A_24 : i32
    %and3A = arith.andi %ne3A, %ne3A_25 : i1
    %sub3A = arith.constant 1 : i32
    %sub3A_26 = arith.subi %div3A, %sub3A : i32
    %select_n3A = arith.select %and3A, %sub3A_26, %div3A : i32
    %mul3A_27 = arith.constant 8 : i32
    %mul3A_28 = arith.muli %select_n3A, %mul3A_27 : i32
    %sub3A_29 = arith.subi %get3A_10, %mul3A_28 : i32
    %add3A_30 = arith.constant 128 : i32
    %add3A_31 = arith.addi %sub3A_29, %add3A_30 : i32
    %sub3A_32 = arith.constant 1 : i32
    %sub3A_33 = arith.subi %add3A_31, %sub3A_32 : i32
    %jit3A_34 = arith.constant 128 : i32
    %div3A_35 = arith.divsi %sub3A_33, %jit3A_34 : i32
    %sign3A_36 = arith.constant 0 : i32
    %sign3A_37 = arith.cmpi sgt, %sub3A_33, %sign3A_36 : i32
    %sign3A_38 = arith.extui %sign3A_37 : i1 to i32
    %sign3A_39 = arith.constant 0 : i32
    %sign3A_40 = arith.cmpi slt, %sub3A_33, %sign3A_39 : i32
    %sign3A_41 = arith.extui %sign3A_40 : i1 to i32
    %sign3A_42 = arith.subi %sign3A_38, %sign3A_41 : i32
    %sign3A_43 = arith.constant 0 : i32
    %sign3A_44 = arith.cmpi sgt, %jit3A_34, %sign3A_43 : i32
    %sign3A_45 = arith.extui %sign3A_44 : i1 to i32
    %sign3A_46 = arith.constant 0 : i32
    %sign3A_47 = arith.cmpi slt, %jit3A_34, %sign3A_46 : i32
    %sign3A_48 = arith.extui %sign3A_47 : i1 to i32
    %sign3A_49 = arith.subi %sign3A_45, %sign3A_48 : i32
    %ne3A_50 = arith.cmpi ne, %sign3A_42, %sign3A_49 : i32
    %rem3A_51 = arith.remsi %sub3A_33, %jit3A_34 : i32
    %ne3A_52 = arith.constant 0 : i32
    %ne3A_53 = arith.cmpi ne, %rem3A_51, %ne3A_52 : i32
    %and3A_54 = arith.andi %ne3A_50, %ne3A_53 : i1
    %sub3A_55 = arith.constant 1 : i32
    %sub3A_56 = arith.subi %div3A_35, %sub3A_55 : i32
    %select_n3A_57 = arith.select %and3A_54, %sub3A_56, %div3A_35 : i32
    %mul3A_58 = arith.constant 438048 : i32
    %mul3A_59 = arith.muli %arg0, %mul3A_58 : i32
    %mul3A_60 = arith.constant 219024 : i32
    %mul3A_61 = arith.muli %arg1, %mul3A_60 : i32
    %add3A_62 = arith.addi %mul3A_59, %mul3A_61 : i32
    %mul3A_63 = arith.constant 468 : i32
    %mul3A_64 = arith.muli %add3A_1, %mul3A_63 : i32
    %add3A_65 = arith.addi %add3A_62, %mul3A_64 : i32
    %broadcast_in_dim3A = arith.constant 0.000000e+00 : f32
    %broadcast_in_dim3A_66 = vector.broadcast %broadcast_in_dim3A : f32 to vector<64x1872xf32>
    %while3A = arith.constant 0 : i32
    %while3A_67 = arith.subi %select_n3A_57, %while3A : i32
    %while3A_68 = arith.addi %while3A, %while3A_67 : i32
    %while3A_69 = arith.constant 1 : i32
    %while3A_70 = arith.divsi %while3A_67, %while3A_69 : i32
    %while3A_71 = arith.muli %while3A_70, %while3A_69 : i32
    %while3A_72 = arith.addi %while3A, %while3A_71 : i32
    %while3A_73 = arith.constant 1 : i32
    %while3A_74 = scf.for %while3A_489 = %while3A to %while3A_72 step %while3A_73 iter_args(%while3A_490 = %broadcast_in_dim3A_66) -> (vector<64x1872xf32>)  : i32 {
      %mul3A_491 = arith.constant 128 : i32
      %mul3A_492 = arith.muli %while3A_489, %mul3A_491 : i32
      %add3A_493 = arith.addi %mul3A_28, %mul3A_492 : i32
      %get3A_494 = arith.index_cast %add3A_493 : i32 to index
      %get3A_495 = arith.constant 0 : index
      %get3A_496 = vector.load %arg4[%get3A_494, %get3A_495] : memref<50176x128xf32, #tpu.memory_space<vmem>>, vector<128x128xf32>
      %slice3A_497 = vector.extract_strided_slice %get3A_496 {offsets = [0, 64], sizes = [128, 1], strides = [1, 1]} : vector<128x128xf32> to vector<128x1xf32>
      %convert_element_type3A = arith.fptosi %slice3A_497 : vector<128x1xf32> to vector<128x1xi32>
      %sub3A_498 = vector.broadcast %add3A_65 : i32 to vector<128x1xi32>
      %sub3A_499 = arith.subi %convert_element_type3A, %sub3A_498 : vector<128x1xi32>
      %eq3A = vector.broadcast %sub3A_499 : vector<128x1xi32> to vector<128x1872xi32>
      %eq3A_500 = arith.cmpi eq, %eq3A, %iota3A : vector<128x1872xi32>
      %convert_element_type3A_501 = arith.extui %eq3A_500 : vector<128x1872xi1> to vector<128x1872xi32>
      %convert_element_type3A_502 = arith.sitofp %convert_element_type3A_501 : vector<128x1872xi32> to vector<128x1872xf32>
      %slice3A_503 = vector.extract_strided_slice %get3A_496 {offsets = [0, 0], sizes = [128, 64], strides = [1, 1]} : vector<128x128xf32> to vector<128x64xf32>
      %dot_general3A = arith.constant dense<0.000000e+00> : vector<64x1872xf32>
      %dot_general3A_504 = tpu.matmul %slice3A_503, %convert_element_type3A_502, %dot_general3A {dimension_numbers = #tpu.dot_dimension_numbers<[0], [0], [1], [1], [0, 1, 1, 1], [], []>, transpose_lhs_hint = false} : vector<128x64xf32>, vector<128x1872xf32>, vector<64x1872xf32> -> vector<64x1872xf32>
      %add3A_505 = arith.addf %while3A_490, %dot_general3A_504 : vector<64x1872xf32>
      scf.yield %add3A_505 : vector<64x1872xf32>
    }
    %while3A_75 = arith.constant 1 : i32
    %while3A_76 = scf.for %while3A_489 = %while3A_72 to %while3A_68 step %while3A_75 iter_args(%while3A_490 = %while3A_74) -> (vector<64x1872xf32>)  : i32 {
      %mul3A_491 = arith.constant 128 : i32
      %mul3A_492 = arith.muli %while3A_489, %mul3A_491 : i32
      %add3A_493 = arith.addi %mul3A_28, %mul3A_492 : i32
      %get3A_494 = arith.index_cast %add3A_493 : i32 to index
      %get3A_495 = arith.constant 0 : index
      %get3A_496 = vector.load %arg4[%get3A_494, %get3A_495] : memref<50176x128xf32, #tpu.memory_space<vmem>>, vector<128x128xf32>
      %slice3A_497 = vector.extract_strided_slice %get3A_496 {offsets = [0, 64], sizes = [128, 1], strides = [1, 1]} : vector<128x128xf32> to vector<128x1xf32>
      %convert_element_type3A = arith.fptosi %slice3A_497 : vector<128x1xf32> to vector<128x1xi32>
      %sub3A_498 = vector.broadcast %add3A_65 : i32 to vector<128x1xi32>
      %sub3A_499 = arith.subi %convert_element_type3A, %sub3A_498 : vector<128x1xi32>
      %eq3A = vector.broadcast %sub3A_499 : vector<128x1xi32> to vector<128x1872xi32>
      %eq3A_500 = arith.cmpi eq, %eq3A, %iota3A : vector<128x1872xi32>
      %convert_element_type3A_501 = arith.extui %eq3A_500 : vector<128x1872xi1> to vector<128x1872xi32>
      %convert_element_type3A_502 = arith.sitofp %convert_element_type3A_501 : vector<128x1872xi32> to vector<128x1872xf32>
      %slice3A_503 = vector.extract_strided_slice %get3A_496 {offsets = [0, 0], sizes = [128, 64], strides = [1, 1]} : vector<128x128xf32> to vector<128x64xf32>
      %dot_general3A = arith.constant dense<0.000000e+00> : vector<64x1872xf32>
      %dot_general3A_504 = tpu.matmul %slice3A_503, %convert_element_type3A_502, %dot_general3A {dimension_numbers = #tpu.dot_dimension_numbers<[0], [0], [1], [1], [0, 1, 1, 1], [], []>, transpose_lhs_hint = false} : vector<128x64xf32>, vector<128x1872xf32>, vector<64x1872xf32> -> vector<64x1872xf32>
      %add3A_505 = arith.addf %while3A_490, %dot_general3A_504 : vector<64x1872xf32>
      scf.yield %add3A_505 : vector<64x1872xf32>
    }
    %slice3A = vector.extract_strided_slice %while3A_76 {offsets = [0, 0], sizes = [64, 468], strides = [1, 1]} : vector<64x1872xf32> to vector<64x468xf32>
    %swap3A = arith.constant 0 : index
    %swap3A_77 = arith.constant 0 : index
    %swap3A_78 = arith.constant 0 : index
    %swap3A_79 = arith.constant 0 : index
    %swap3A_80 = arith.constant 0 : index
    %swap3A_81 = vector.load %arg5[%swap3A, %swap3A_77, %swap3A_78, %swap3A_79, %swap3A_80] : memref<1x64x1x16x468xf32, #tpu.memory_space<vmem>>, vector<1x64x1x1x468xf32>
    %swap3A_82 = vector.shape_cast %swap3A_81 : vector<1x64x1x1x468xf32> to vector<64x468xf32>
    %swap3A_83 = vector.shape_cast %slice3A : vector<64x468xf32> to vector<1x64x1x1x468xf32>
    tpu.vector_store %arg5[%swap3A, %swap3A_77, %swap3A_78, %swap3A_79, %swap3A_80], %swap3A_83 {strides = array<i32>} : memref<1x64x1x16x468xf32, #tpu.memory_space<vmem>>, vector<1x64x1x1x468xf32>,
    %slice3A_84 = vector.extract_strided_slice %while3A_76 {offsets = [0, 468], sizes = [64, 468], strides = [1, 1]} : vector<64x1872xf32> to vector<64x468xf32>
    %swap3A_85 = arith.constant 0 : index
    %swap3A_86 = arith.constant 0 : index
    %swap3A_87 = arith.constant 0 : index
    %swap3A_88 = arith.constant 1 : index
    %swap3A_89 = arith.constant 0 : index
    %swap3A_90 = vector.load %arg5[%swap3A_85, %swap3A_86, %swap3A_87, %swap3A_88, %swap3A_89] : memref<1x64x1x16x468xf32, #tpu.memory_space<vmem>>, vector<1x64x1x1x468xf32>
    %swap3A_91 = vector.shape_cast %swap3A_90 : vector<1x64x1x1x468xf32> to vector<64x468xf32>
    %swap3A_92 = vector.shape_cast %slice3A_84 : vector<64x468xf32> to vector<1x64x1x1x468xf32>
    tpu.vector_store %arg5[%swap3A_85, %swap3A_86, %swap3A_87, %swap3A_88, %swap3A_89], %swap3A_92 {strides = array<i32>} : memref<1x64x1x16x468xf32, #tpu.memory_space<vmem>>, vector<1x64x1x1x468xf32>,
    %slice3A_93 = vector.extract_strided_slice %while3A_76 {offsets = [0, 936], sizes = [64, 468], strides = [1, 1]} : vector<64x1872xf32> to vector<64x468xf32>
    %swap3A_94 = arith.constant 0 : index
    %swap3A_95 = arith.constant 0 : index
    %swap3A_96 = arith.constant 0 : index
    %swap3A_97 = arith.constant 2 : index
    %swap3A_98 = arith.constant 0 : index
    %swap3A_99 = vector.load %arg5[%swap3A_94, %swap3A_95, %swap3A_96, %swap3A_97, %swap3A_98] : memref<1x64x1x16x468xf32, #tpu.memory_space<vmem>>, vector<1x64x1x1x468xf32>
    %swap3A_100 = vector.shape_cast %swap3A_99 : vector<1x64x1x1x468xf32> to vector<64x468xf32>
    %swap3A_101 = vector.shape_cast %slice3A_93 : vector<64x468xf32> to vector<1x64x1x1x468xf32>
    tpu.vector_store %arg5[%swap3A_94, %swap3A_95, %swap3A_96, %swap3A_97, %swap3A_98], %swap3A_101 {strides = array<i32>} : memref<1x64x1x16x468xf32, #tpu.memory_space<vmem>>, vector<1x64x1x1x468xf32>,
    %slice3A_102 = vector.extract_strided_slice %while3A_76 {offsets = [0, 1404], sizes = [64, 468], strides = [1, 1]} : vector<64x1872xf32> to vector<64x468xf32>
    %swap3A_103 = arith.constant 0 : index
    %swap3A_104 = arith.constant 0 : index
    %swap3A_105 = arith.constant 0 : index
    %swap3A_106 = arith.constant 3 : index
    %swap3A_107 = arith.constant 0 : index
    %swap3A_108 = vector.load %arg5[%swap3A_103, %swap3A_104, %swap3A_105, %swap3A_106, %swap3A_107] : memref<1x64x1x16x468xf32, #tpu.memory_space<vmem>>, vector<1x64x1x1x468xf32>
    %swap3A_109 = vector.shape_cast %swap3A_108 : vector<1x64x1x1x468xf32> to vector<64x468xf32>
    %swap3A_110 = vector.shape_cast %slice3A_102 : vector<64x468xf32> to vector<1x64x1x1x468xf32>
    tpu.vector_store %arg5[%swap3A_103, %swap3A_104, %swap3A_105, %swap3A_106, %swap3A_107], %swap3A_110 {strides = array<i32>} : memref<1x64x1x16x468xf32, #tpu.memory_space<vmem>>, vector<1x64x1x1x468xf32>,
    %mul3A_111 = arith.constant 16 : i32
    %mul3A_112 = arith.muli %arg2, %mul3A_111 : i32
    %add3A_113 = arith.constant 4 : i32
    %add3A_114 = arith.addi %mul3A_112, %add3A_113 : i32
    %get3A_115 = arith.index_cast %arg0 : i32 to index
    %get3A_116 = arith.index_cast %arg1 : i32 to index
    %get3A_117 = arith.index_cast %add3A_114 : i32 to index
    %get3A_118 = memref.load %arg3[%get3A_115, %get3A_116, %get3A_117] : memref<2x2x481xi32, #tpu.memory_space<smem>>
    %add3A_119 = arith.constant 4 : i32
    %add3A_120 = arith.addi %add3A_114, %add3A_119 : i32
    %get3A_121 = arith.index_cast %arg0 : i32 to index
    %get3A_122 = arith.index_cast %arg1 : i32 to index
    %get3A_123 = arith.index_cast %add3A_120 : i32 to index
    %get3A_124 = memref.load %arg3[%get3A_121, %get3A_122, %get3A_123] : memref<2x2x481xi32, #tpu.memory_space<smem>>
    %jit3A_125 = arith.constant 8 : i32
    %div3A_126 = arith.divsi %get3A_118, %jit3A_125 : i32
    %sign3A_127 = arith.constant 0 : i32
    %sign3A_128 = arith.cmpi sgt, %get3A_118, %sign3A_127 : i32
    %sign3A_129 = arith.extui %sign3A_128 : i1 to i32
    %sign3A_130 = arith.constant 0 : i32
    %sign3A_131 = arith.cmpi slt, %get3A_118, %sign3A_130 : i32
    %sign3A_132 = arith.extui %sign3A_131 : i1 to i32
    %sign3A_133 = arith.subi %sign3A_129, %sign3A_132 : i32
    %sign3A_134 = arith.constant 0 : i32
    %sign3A_135 = arith.cmpi sgt, %jit3A_125, %sign3A_134 : i32
    %sign3A_136 = arith.extui %sign3A_135 : i1 to i32
    %sign3A_137 = arith.constant 0 : i32
    %sign3A_138 = arith.cmpi slt, %jit3A_125, %sign3A_137 : i32
    %sign3A_139 = arith.extui %sign3A_138 : i1 to i32
    %sign3A_140 = arith.subi %sign3A_136, %sign3A_139 : i32
    %ne3A_141 = arith.cmpi ne, %sign3A_133, %sign3A_140 : i32
    %rem3A_142 = arith.remsi %get3A_118, %jit3A_125 : i32
    %ne3A_143 = arith.constant 0 : i32
    %ne3A_144 = arith.cmpi ne, %rem3A_142, %ne3A_143 : i32
    %and3A_145 = arith.andi %ne3A_141, %ne3A_144 : i1
    %sub3A_146 = arith.constant 1 : i32
    %sub3A_147 = arith.subi %div3A_126, %sub3A_146 : i32
    %select_n3A_148 = arith.select %and3A_145, %sub3A_147, %div3A_126 : i32
    %mul3A_149 = arith.constant 8 : i32
    %mul3A_150 = arith.muli %select_n3A_148, %mul3A_149 : i32
    %sub3A_151 = arith.subi %get3A_124, %mul3A_150 : i32
    %add3A_152 = arith.constant 128 : i32
    %add3A_153 = arith.addi %sub3A_151, %add3A_152 : i32
    %sub3A_154 = arith.constant 1 : i32
    %sub3A_155 = arith.subi %add3A_153, %sub3A_154 : i32
    %jit3A_156 = arith.constant 128 : i32
    %div3A_157 = arith.divsi %sub3A_155, %jit3A_156 : i32
    %sign3A_158 = arith.constant 0 : i32
    %sign3A_159 = arith.cmpi sgt, %sub3A_155, %sign3A_158 : i32
    %sign3A_160 = arith.extui %sign3A_159 : i1 to i32
    %sign3A_161 = arith.constant 0 : i32
    %sign3A_162 = arith.cmpi slt, %sub3A_155, %sign3A_161 : i32
    %sign3A_163 = arith.extui %sign3A_162 : i1 to i32
    %sign3A_164 = arith.subi %sign3A_160, %sign3A_163 : i32
    %sign3A_165 = arith.constant 0 : i32
    %sign3A_166 = arith.cmpi sgt, %jit3A_156, %sign3A_165 : i32
    %sign3A_167 = arith.extui %sign3A_166 : i1 to i32
    %sign3A_168 = arith.constant 0 : i32
    %sign3A_169 = arith.cmpi slt, %jit3A_156, %sign3A_168 : i32
    %sign3A_170 = arith.extui %sign3A_169 : i1 to i32
    %sign3A_171 = arith.subi %sign3A_167, %sign3A_170 : i32
    %ne3A_172 = arith.cmpi ne, %sign3A_164, %sign3A_171 : i32
    %rem3A_173 = arith.remsi %sub3A_155, %jit3A_156 : i32
    %ne3A_174 = arith.constant 0 : i32
    %ne3A_175 = arith.cmpi ne, %rem3A_173, %ne3A_174 : i32
    %and3A_176 = arith.andi %ne3A_172, %ne3A_175 : i1
    %sub3A_177 = arith.constant 1 : i32
    %sub3A_178 = arith.subi %div3A_157, %sub3A_177 : i32
    %select_n3A_179 = arith.select %and3A_176, %sub3A_178, %div3A_157 : i32
    %mul3A_180 = arith.constant 438048 : i32
    %mul3A_181 = arith.muli %arg0, %mul3A_180 : i32
    %mul3A_182 = arith.constant 219024 : i32
    %mul3A_183 = arith.muli %arg1, %mul3A_182 : i32
    %add3A_184 = arith.addi %mul3A_181, %mul3A_183 : i32
    %mul3A_185 = arith.constant 468 : i32
    %mul3A_186 = arith.muli %add3A_114, %mul3A_185 : i32
    %add3A_187 = arith.addi %add3A_184, %mul3A_186 : i32
    %broadcast_in_dim3A_188 = arith.constant 0.000000e+00 : f32
    %broadcast_in_dim3A_189 = vector.broadcast %broadcast_in_dim3A_188 : f32 to vector<64x1872xf32>
    %while3A_190 = arith.constant 0 : i32
    %while3A_191 = arith.subi %select_n3A_179, %while3A_190 : i32
    %while3A_192 = arith.addi %while3A_190, %while3A_191 : i32
    %while3A_193 = arith.constant 1 : i32
    %while3A_194 = arith.divsi %while3A_191, %while3A_193 : i32
    %while3A_195 = arith.muli %while3A_194, %while3A_193 : i32
    %while3A_196 = arith.addi %while3A_190, %while3A_195 : i32
    %while3A_197 = arith.constant 1 : i32
    %while3A_198 = scf.for %while3A_489 = %while3A_190 to %while3A_196 step %while3A_197 iter_args(%while3A_490 = %broadcast_in_dim3A_189) -> (vector<64x1872xf32>)  : i32 {
      %mul3A_491 = arith.constant 128 : i32
      %mul3A_492 = arith.muli %while3A_489, %mul3A_491 : i32
      %add3A_493 = arith.addi %mul3A_150, %mul3A_492 : i32
      %get3A_494 = arith.index_cast %add3A_493 : i32 to index
      %get3A_495 = arith.constant 0 : index
      %get3A_496 = vector.load %arg4[%get3A_494, %get3A_495] : memref<50176x128xf32, #tpu.memory_space<vmem>>, vector<128x128xf32>
      %slice3A_497 = vector.extract_strided_slice %get3A_496 {offsets = [0, 64], sizes = [128, 1], strides = [1, 1]} : vector<128x128xf32> to vector<128x1xf32>
      %convert_element_type3A = arith.fptosi %slice3A_497 : vector<128x1xf32> to vector<128x1xi32>
      %sub3A_498 = vector.broadcast %add3A_187 : i32 to vector<128x1xi32>
      %sub3A_499 = arith.subi %convert_element_type3A, %sub3A_498 : vector<128x1xi32>
      %eq3A = vector.broadcast %sub3A_499 : vector<128x1xi32> to vector<128x1872xi32>
      %eq3A_500 = arith.cmpi eq, %eq3A, %iota3A : vector<128x1872xi32>
      %convert_element_type3A_501 = arith.extui %eq3A_500 : vector<128x1872xi1> to vector<128x1872xi32>
      %convert_element_type3A_502 = arith.sitofp %convert_element_type3A_501 : vector<128x1872xi32> to vector<128x1872xf32>
      %slice3A_503 = vector.extract_strided_slice %get3A_496 {offsets = [0, 0], sizes = [128, 64], strides = [1, 1]} : vector<128x128xf32> to vector<128x64xf32>
      %dot_general3A = arith.constant dense<0.000000e+00> : vector<64x1872xf32>
      %dot_general3A_504 = tpu.matmul %slice3A_503, %convert_element_type3A_502, %dot_general3A {dimension_numbers = #tpu.dot_dimension_numbers<[0], [0], [1], [1], [0, 1, 1, 1], [], []>, transpose_lhs_hint = false} : vector<128x64xf32>, vector<128x1872xf32>, vector<64x1872xf32> -> vector<64x1872xf32>
      %add3A_505 = arith.addf %while3A_490, %dot_general3A_504 : vector<64x1872xf32>
      scf.yield %add3A_505 : vector<64x1872xf32>
    }
    %while3A_199 = arith.constant 1 : i32
    %while3A_200 = scf.for %while3A_489 = %while3A_196 to %while3A_192 step %while3A_199 iter_args(%while3A_490 = %while3A_198) -> (vector<64x1872xf32>)  : i32 {
      %mul3A_491 = arith.constant 128 : i32
      %mul3A_492 = arith.muli %while3A_489, %mul3A_491 : i32
      %add3A_493 = arith.addi %mul3A_150, %mul3A_492 : i32
      %get3A_494 = arith.index_cast %add3A_493 : i32 to index
      %get3A_495 = arith.constant 0 : index
      %get3A_496 = vector.load %arg4[%get3A_494, %get3A_495] : memref<50176x128xf32, #tpu.memory_space<vmem>>, vector<128x128xf32>
      %slice3A_497 = vector.extract_strided_slice %get3A_496 {offsets = [0, 64], sizes = [128, 1], strides = [1, 1]} : vector<128x128xf32> to vector<128x1xf32>
      %convert_element_type3A = arith.fptosi %slice3A_497 : vector<128x1xf32> to vector<128x1xi32>
      %sub3A_498 = vector.broadcast %add3A_187 : i32 to vector<128x1xi32>
      %sub3A_499 = arith.subi %convert_element_type3A, %sub3A_498 : vector<128x1xi32>
      %eq3A = vector.broadcast %sub3A_499 : vector<128x1xi32> to vector<128x1872xi32>
      %eq3A_500 = arith.cmpi eq, %eq3A, %iota3A : vector<128x1872xi32>
      %convert_element_type3A_501 = arith.extui %eq3A_500 : vector<128x1872xi1> to vector<128x1872xi32>
      %convert_element_type3A_502 = arith.sitofp %convert_element_type3A_501 : vector<128x1872xi32> to vector<128x1872xf32>
      %slice3A_503 = vector.extract_strided_slice %get3A_496 {offsets = [0, 0], sizes = [128, 64], strides = [1, 1]} : vector<128x128xf32> to vector<128x64xf32>
      %dot_general3A = arith.constant dense<0.000000e+00> : vector<64x1872xf32>
      %dot_general3A_504 = tpu.matmul %slice3A_503, %convert_element_type3A_502, %dot_general3A {dimension_numbers = #tpu.dot_dimension_numbers<[0], [0], [1], [1], [0, 1, 1, 1], [], []>, transpose_lhs_hint = false} : vector<128x64xf32>, vector<128x1872xf32>, vector<64x1872xf32> -> vector<64x1872xf32>
      %add3A_505 = arith.addf %while3A_490, %dot_general3A_504 : vector<64x1872xf32>
      scf.yield %add3A_505 : vector<64x1872xf32>
    }
    %slice3A_201 = vector.extract_strided_slice %while3A_200 {offsets = [0, 0], sizes = [64, 468], strides = [1, 1]} : vector<64x1872xf32> to vector<64x468xf32>
    %swap3A_202 = arith.constant 0 : index
    %swap3A_203 = arith.constant 0 : index
    %swap3A_204 = arith.constant 0 : index
    %swap3A_205 = arith.constant 4 : index
    %swap3A_206 = arith.constant 0 : index
    %swap3A_207 = vector.load %arg5[%swap3A_202, %swap3A_203, %swap3A_204, %swap3A_205, %swap3A_206] : memref<1x64x1x16x468xf32, #tpu.memory_space<vmem>>, vector<1x64x1x1x468xf32>
    %swap3A_208 = vector.shape_cast %swap3A_207 : vector<1x64x1x1x468xf32> to vector<64x468xf32>
    %swap3A_209 = vector.shape_cast %slice3A_201 : vector<64x468xf32> to vector<1x64x1x1x468xf32>
    tpu.vector_store %arg5[%swap3A_202, %swap3A_203, %swap3A_204, %swap3A_205, %swap3A_206], %swap3A_209 {strides = array<i32>} : memref<1x64x1x16x468xf32, #tpu.memory_space<vmem>>, vector<1x64x1x1x468xf32>,
    %slice3A_210 = vector.extract_strided_slice %while3A_200 {offsets = [0, 468], sizes = [64, 468], strides = [1, 1]} : vector<64x1872xf32> to vector<64x468xf32>
    %swap3A_211 = arith.constant 0 : index
    %swap3A_212 = arith.constant 0 : index
    %swap3A_213 = arith.constant 0 : index
    %swap3A_214 = arith.constant 5 : index
    %swap3A_215 = arith.constant 0 : index
    %swap3A_216 = vector.load %arg5[%swap3A_211, %swap3A_212, %swap3A_213, %swap3A_214, %swap3A_215] : memref<1x64x1x16x468xf32, #tpu.memory_space<vmem>>, vector<1x64x1x1x468xf32>
    %swap3A_217 = vector.shape_cast %swap3A_216 : vector<1x64x1x1x468xf32> to vector<64x468xf32>
    %swap3A_218 = vector.shape_cast %slice3A_210 : vector<64x468xf32> to vector<1x64x1x1x468xf32>
    tpu.vector_store %arg5[%swap3A_211, %swap3A_212, %swap3A_213, %swap3A_214, %swap3A_215], %swap3A_218 {strides = array<i32>} : memref<1x64x1x16x468xf32, #tpu.memory_space<vmem>>, vector<1x64x1x1x468xf32>,
    %slice3A_219 = vector.extract_strided_slice %while3A_200 {offsets = [0, 936], sizes = [64, 468], strides = [1, 1]} : vector<64x1872xf32> to vector<64x468xf32>
    %swap3A_220 = arith.constant 0 : index
    %swap3A_221 = arith.constant 0 : index
    %swap3A_222 = arith.constant 0 : index
    %swap3A_223 = arith.constant 6 : index
    %swap3A_224 = arith.constant 0 : index
    %swap3A_225 = vector.load %arg5[%swap3A_220, %swap3A_221, %swap3A_222, %swap3A_223, %swap3A_224] : memref<1x64x1x16x468xf32, #tpu.memory_space<vmem>>, vector<1x64x1x1x468xf32>
    %swap3A_226 = vector.shape_cast %swap3A_225 : vector<1x64x1x1x468xf32> to vector<64x468xf32>
    %swap3A_227 = vector.shape_cast %slice3A_219 : vector<64x468xf32> to vector<1x64x1x1x468xf32>
    tpu.vector_store %arg5[%swap3A_220, %swap3A_221, %swap3A_222, %swap3A_223, %swap3A_224], %swap3A_227 {strides = array<i32>} : memref<1x64x1x16x468xf32, #tpu.memory_space<vmem>>, vector<1x64x1x1x468xf32>,
    %slice3A_228 = vector.extract_strided_slice %while3A_200 {offsets = [0, 1404], sizes = [64, 468], strides = [1, 1]} : vector<64x1872xf32> to vector<64x468xf32>
    %swap3A_229 = arith.constant 0 : index
    %swap3A_230 = arith.constant 0 : index
    %swap3A_231 = arith.constant 0 : index
    %swap3A_232 = arith.constant 7 : index
    %swap3A_233 = arith.constant 0 : index
    %swap3A_234 = vector.load %arg5[%swap3A_229, %swap3A_230, %swap3A_231, %swap3A_232, %swap3A_233] : memref<1x64x1x16x468xf32, #tpu.memory_space<vmem>>, vector<1x64x1x1x468xf32>
    %swap3A_235 = vector.shape_cast %swap3A_234 : vector<1x64x1x1x468xf32> to vector<64x468xf32>
    %swap3A_236 = vector.shape_cast %slice3A_228 : vector<64x468xf32> to vector<1x64x1x1x468xf32>
    tpu.vector_store %arg5[%swap3A_229, %swap3A_230, %swap3A_231, %swap3A_232, %swap3A_233], %swap3A_236 {strides = array<i32>} : memref<1x64x1x16x468xf32, #tpu.memory_space<vmem>>, vector<1x64x1x1x468xf32>,
    %mul3A_237 = arith.constant 16 : i32
    %mul3A_238 = arith.muli %arg2, %mul3A_237 : i32
    %add3A_239 = arith.constant 8 : i32
    %add3A_240 = arith.addi %mul3A_238, %add3A_239 : i32
    %get3A_241 = arith.index_cast %arg0 : i32 to index
    %get3A_242 = arith.index_cast %arg1 : i32 to index
    %get3A_243 = arith.index_cast %add3A_240 : i32 to index
    %get3A_244 = memref.load %arg3[%get3A_241, %get3A_242, %get3A_243] : memref<2x2x481xi32, #tpu.memory_space<smem>>
    %add3A_245 = arith.constant 4 : i32
    %add3A_246 = arith.addi %add3A_240, %add3A_245 : i32
    %get3A_247 = arith.index_cast %arg0 : i32 to index
    %get3A_248 = arith.index_cast %arg1 : i32 to index
    %get3A_249 = arith.index_cast %add3A_246 : i32 to index
    %get3A_250 = memref.load %arg3[%get3A_247, %get3A_248, %get3A_249] : memref<2x2x481xi32, #tpu.memory_space<smem>>
    %jit3A_251 = arith.constant 8 : i32
    %div3A_252 = arith.divsi %get3A_244, %jit3A_251 : i32
    %sign3A_253 = arith.constant 0 : i32
    %sign3A_254 = arith.cmpi sgt, %get3A_244, %sign3A_253 : i32
    %sign3A_255 = arith.extui %sign3A_254 : i1 to i32
    %sign3A_256 = arith.constant 0 : i32
    %sign3A_257 = arith.cmpi slt, %get3A_244, %sign3A_256 : i32
    %sign3A_258 = arith.extui %sign3A_257 : i1 to i32
    %sign3A_259 = arith.subi %sign3A_255, %sign3A_258 : i32
    %sign3A_260 = arith.constant 0 : i32
    %sign3A_261 = arith.cmpi sgt, %jit3A_251, %sign3A_260 : i32
    %sign3A_262 = arith.extui %sign3A_261 : i1 to i32
    %sign3A_263 = arith.constant 0 : i32
    %sign3A_264 = arith.cmpi slt, %jit3A_251, %sign3A_263 : i32
    %sign3A_265 = arith.extui %sign3A_264 : i1 to i32
    %sign3A_266 = arith.subi %sign3A_262, %sign3A_265 : i32
    %ne3A_267 = arith.cmpi ne, %sign3A_259, %sign3A_266 : i32
    %rem3A_268 = arith.remsi %get3A_244, %jit3A_251 : i32
    %ne3A_269 = arith.constant 0 : i32
    %ne3A_270 = arith.cmpi ne, %rem3A_268, %ne3A_269 : i32
    %and3A_271 = arith.andi %ne3A_267, %ne3A_270 : i1
    %sub3A_272 = arith.constant 1 : i32
    %sub3A_273 = arith.subi %div3A_252, %sub3A_272 : i32
    %select_n3A_274 = arith.select %and3A_271, %sub3A_273, %div3A_252 : i32
    %mul3A_275 = arith.constant 8 : i32
    %mul3A_276 = arith.muli %select_n3A_274, %mul3A_275 : i32
    %sub3A_277 = arith.subi %get3A_250, %mul3A_276 : i32
    %add3A_278 = arith.constant 128 : i32
    %add3A_279 = arith.addi %sub3A_277, %add3A_278 : i32
    %sub3A_280 = arith.constant 1 : i32
    %sub3A_281 = arith.subi %add3A_279, %sub3A_280 : i32
    %jit3A_282 = arith.constant 128 : i32
    %div3A_283 = arith.divsi %sub3A_281, %jit3A_282 : i32
    %sign3A_284 = arith.constant 0 : i32
    %sign3A_285 = arith.cmpi sgt, %sub3A_281, %sign3A_284 : i32
    %sign3A_286 = arith.extui %sign3A_285 : i1 to i32
    %sign3A_287 = arith.constant 0 : i32
    %sign3A_288 = arith.cmpi slt, %sub3A_281, %sign3A_287 : i32
    %sign3A_289 = arith.extui %sign3A_288 : i1 to i32
    %sign3A_290 = arith.subi %sign3A_286, %sign3A_289 : i32
    %sign3A_291 = arith.constant 0 : i32
    %sign3A_292 = arith.cmpi sgt, %jit3A_282, %sign3A_291 : i32
    %sign3A_293 = arith.extui %sign3A_292 : i1 to i32
    %sign3A_294 = arith.constant 0 : i32
    %sign3A_295 = arith.cmpi slt, %jit3A_282, %sign3A_294 : i32
    %sign3A_296 = arith.extui %sign3A_295 : i1 to i32
    %sign3A_297 = arith.subi %sign3A_293, %sign3A_296 : i32
    %ne3A_298 = arith.cmpi ne, %sign3A_290, %sign3A_297 : i32
    %rem3A_299 = arith.remsi %sub3A_281, %jit3A_282 : i32
    %ne3A_300 = arith.constant 0 : i32
    %ne3A_301 = arith.cmpi ne, %rem3A_299, %ne3A_300 : i32
    %and3A_302 = arith.andi %ne3A_298, %ne3A_301 : i1
    %sub3A_303 = arith.constant 1 : i32
    %sub3A_304 = arith.subi %div3A_283, %sub3A_303 : i32
    %select_n3A_305 = arith.select %and3A_302, %sub3A_304, %div3A_283 : i32
    %mul3A_306 = arith.constant 438048 : i32
    %mul3A_307 = arith.muli %arg0, %mul3A_306 : i32
    %mul3A_308 = arith.constant 219024 : i32
    %mul3A_309 = arith.muli %arg1, %mul3A_308 : i32
    %add3A_310 = arith.addi %mul3A_307, %mul3A_309 : i32
    %mul3A_311 = arith.constant 468 : i32
    %mul3A_312 = arith.muli %add3A_240, %mul3A_311 : i32
    %add3A_313 = arith.addi %add3A_310, %mul3A_312 : i32
    %broadcast_in_dim3A_314 = arith.constant 0.000000e+00 : f32
    %broadcast_in_dim3A_315 = vector.broadcast %broadcast_in_dim3A_314 : f32 to vector<64x1872xf32>
    %while3A_316 = arith.constant 0 : i32
    %while3A_317 = arith.subi %select_n3A_305, %while3A_316 : i32
    %while3A_318 = arith.addi %while3A_316, %while3A_317 : i32
    %while3A_319 = arith.constant 1 : i32
    %while3A_320 = arith.divsi %while3A_317, %while3A_319 : i32
    %while3A_321 = arith.muli %while3A_320, %while3A_319 : i32
    %while3A_322 = arith.addi %while3A_316, %while3A_321 : i32
    %while3A_323 = arith.constant 1 : i32
    %while3A_324 = scf.for %while3A_489 = %while3A_316 to %while3A_322 step %while3A_323 iter_args(%while3A_490 = %broadcast_in_dim3A_315) -> (vector<64x1872xf32>)  : i32 {
      %mul3A_491 = arith.constant 128 : i32
      %mul3A_492 = arith.muli %while3A_489, %mul3A_491 : i32
      %add3A_493 = arith.addi %mul3A_276, %mul3A_492 : i32
      %get3A_494 = arith.index_cast %add3A_493 : i32 to index
      %get3A_495 = arith.constant 0 : index
      %get3A_496 = vector.load %arg4[%get3A_494, %get3A_495] : memref<50176x128xf32, #tpu.memory_space<vmem>>, vector<128x128xf32>
      %slice3A_497 = vector.extract_strided_slice %get3A_496 {offsets = [0, 64], sizes = [128, 1], strides = [1, 1]} : vector<128x128xf32> to vector<128x1xf32>
      %convert_element_type3A = arith.fptosi %slice3A_497 : vector<128x1xf32> to vector<128x1xi32>
      %sub3A_498 = vector.broadcast %add3A_313 : i32 to vector<128x1xi32>
      %sub3A_499 = arith.subi %convert_element_type3A, %sub3A_498 : vector<128x1xi32>
      %eq3A = vector.broadcast %sub3A_499 : vector<128x1xi32> to vector<128x1872xi32>
      %eq3A_500 = arith.cmpi eq, %eq3A, %iota3A : vector<128x1872xi32>
      %convert_element_type3A_501 = arith.extui %eq3A_500 : vector<128x1872xi1> to vector<128x1872xi32>
      %convert_element_type3A_502 = arith.sitofp %convert_element_type3A_501 : vector<128x1872xi32> to vector<128x1872xf32>
      %slice3A_503 = vector.extract_strided_slice %get3A_496 {offsets = [0, 0], sizes = [128, 64], strides = [1, 1]} : vector<128x128xf32> to vector<128x64xf32>
      %dot_general3A = arith.constant dense<0.000000e+00> : vector<64x1872xf32>
      %dot_general3A_504 = tpu.matmul %slice3A_503, %convert_element_type3A_502, %dot_general3A {dimension_numbers = #tpu.dot_dimension_numbers<[0], [0], [1], [1], [0, 1, 1, 1], [], []>, transpose_lhs_hint = false} : vector<128x64xf32>, vector<128x1872xf32>, vector<64x1872xf32> -> vector<64x1872xf32>
      %add3A_505 = arith.addf %while3A_490, %dot_general3A_504 : vector<64x1872xf32>
      scf.yield %add3A_505 : vector<64x1872xf32>
    }
    %while3A_325 = arith.constant 1 : i32
    %while3A_326 = scf.for %while3A_489 = %while3A_322 to %while3A_318 step %while3A_325 iter_args(%while3A_490 = %while3A_324) -> (vector<64x1872xf32>)  : i32 {
      %mul3A_491 = arith.constant 128 : i32
      %mul3A_492 = arith.muli %while3A_489, %mul3A_491 : i32
      %add3A_493 = arith.addi %mul3A_276, %mul3A_492 : i32
      %get3A_494 = arith.index_cast %add3A_493 : i32 to index
      %get3A_495 = arith.constant 0 : index
      %get3A_496 = vector.load %arg4[%get3A_494, %get3A_495] : memref<50176x128xf32, #tpu.memory_space<vmem>>, vector<128x128xf32>
      %slice3A_497 = vector.extract_strided_slice %get3A_496 {offsets = [0, 64], sizes = [128, 1], strides = [1, 1]} : vector<128x128xf32> to vector<128x1xf32>
      %convert_element_type3A = arith.fptosi %slice3A_497 : vector<128x1xf32> to vector<128x1xi32>
      %sub3A_498 = vector.broadcast %add3A_313 : i32 to vector<128x1xi32>
      %sub3A_499 = arith.subi %convert_element_type3A, %sub3A_498 : vector<128x1xi32>
      %eq3A = vector.broadcast %sub3A_499 : vector<128x1xi32> to vector<128x1872xi32>
      %eq3A_500 = arith.cmpi eq, %eq3A, %iota3A : vector<128x1872xi32>
      %convert_element_type3A_501 = arith.extui %eq3A_500 : vector<128x1872xi1> to vector<128x1872xi32>
      %convert_element_type3A_502 = arith.sitofp %convert_element_type3A_501 : vector<128x1872xi32> to vector<128x1872xf32>
      %slice3A_503 = vector.extract_strided_slice %get3A_496 {offsets = [0, 0], sizes = [128, 64], strides = [1, 1]} : vector<128x128xf32> to vector<128x64xf32>
      %dot_general3A = arith.constant dense<0.000000e+00> : vector<64x1872xf32>
      %dot_general3A_504 = tpu.matmul %slice3A_503, %convert_element_type3A_502, %dot_general3A {dimension_numbers = #tpu.dot_dimension_numbers<[0], [0], [1], [1], [0, 1, 1, 1], [], []>, transpose_lhs_hint = false} : vector<128x64xf32>, vector<128x1872xf32>, vector<64x1872xf32> -> vector<64x1872xf32>
      %add3A_505 = arith.addf %while3A_490, %dot_general3A_504 : vector<64x1872xf32>
      scf.yield %add3A_505 : vector<64x1872xf32>
    }
    %slice3A_327 = vector.extract_strided_slice %while3A_326 {offsets = [0, 0], sizes = [64, 468], strides = [1, 1]} : vector<64x1872xf32> to vector<64x468xf32>
    %swap3A_328 = arith.constant 0 : index
    %swap3A_329 = arith.constant 0 : index
    %swap3A_330 = arith.constant 0 : index
    %swap3A_331 = arith.constant 8 : index
    %swap3A_332 = arith.constant 0 : index
    %swap3A_333 = vector.load %arg5[%swap3A_328, %swap3A_329, %swap3A_330, %swap3A_331, %swap3A_332] : memref<1x64x1x16x468xf32, #tpu.memory_space<vmem>>, vector<1x64x1x1x468xf32>
    %swap3A_334 = vector.shape_cast %swap3A_333 : vector<1x64x1x1x468xf32> to vector<64x468xf32>
    %swap3A_335 = vector.shape_cast %slice3A_327 : vector<64x468xf32> to vector<1x64x1x1x468xf32>
    tpu.vector_store %arg5[%swap3A_328, %swap3A_329, %swap3A_330, %swap3A_331, %swap3A_332], %swap3A_335 {strides = array<i32>} : memref<1x64x1x16x468xf32, #tpu.memory_space<vmem>>, vector<1x64x1x1x468xf32>,
    %slice3A_336 = vector.extract_strided_slice %while3A_326 {offsets = [0, 468], sizes = [64, 468], strides = [1, 1]} : vector<64x1872xf32> to vector<64x468xf32>
    %swap3A_337 = arith.constant 0 : index
    %swap3A_338 = arith.constant 0 : index
    %swap3A_339 = arith.constant 0 : index
    %swap3A_340 = arith.constant 9 : index
    %swap3A_341 = arith.constant 0 : index
    %swap3A_342 = vector.load %arg5[%swap3A_337, %swap3A_338, %swap3A_339, %swap3A_340, %swap3A_341] : memref<1x64x1x16x468xf32, #tpu.memory_space<vmem>>, vector<1x64x1x1x468xf32>
    %swap3A_343 = vector.shape_cast %swap3A_342 : vector<1x64x1x1x468xf32> to vector<64x468xf32>
    %swap3A_344 = vector.shape_cast %slice3A_336 : vector<64x468xf32> to vector<1x64x1x1x468xf32>
    tpu.vector_store %arg5[%swap3A_337, %swap3A_338, %swap3A_339, %swap3A_340, %swap3A_341], %swap3A_344 {strides = array<i32>} : memref<1x64x1x16x468xf32, #tpu.memory_space<vmem>>, vector<1x64x1x1x468xf32>,
    %slice3A_345 = vector.extract_strided_slice %while3A_326 {offsets = [0, 936], sizes = [64, 468], strides = [1, 1]} : vector<64x1872xf32> to vector<64x468xf32>
    %swap3A_346 = arith.constant 0 : index
    %swap3A_347 = arith.constant 0 : index
    %swap3A_348 = arith.constant 0 : index
    %swap3A_349 = arith.constant 10 : index
    %swap3A_350 = arith.constant 0 : index
    %swap3A_351 = vector.load %arg5[%swap3A_346, %swap3A_347, %swap3A_348, %swap3A_349, %swap3A_350] : memref<1x64x1x16x468xf32, #tpu.memory_space<vmem>>, vector<1x64x1x1x468xf32>
    %swap3A_352 = vector.shape_cast %swap3A_351 : vector<1x64x1x1x468xf32> to vector<64x468xf32>
    %swap3A_353 = vector.shape_cast %slice3A_345 : vector<64x468xf32> to vector<1x64x1x1x468xf32>
    tpu.vector_store %arg5[%swap3A_346, %swap3A_347, %swap3A_348, %swap3A_349, %swap3A_350], %swap3A_353 {strides = array<i32>} : memref<1x64x1x16x468xf32, #tpu.memory_space<vmem>>, vector<1x64x1x1x468xf32>,
    %slice3A_354 = vector.extract_strided_slice %while3A_326 {offsets = [0, 1404], sizes = [64, 468], strides = [1, 1]} : vector<64x1872xf32> to vector<64x468xf32>
    %swap3A_355 = arith.constant 0 : index
    %swap3A_356 = arith.constant 0 : index
    %swap3A_357 = arith.constant 0 : index
    %swap3A_358 = arith.constant 11 : index
    %swap3A_359 = arith.constant 0 : index
    %swap3A_360 = vector.load %arg5[%swap3A_355, %swap3A_356, %swap3A_357, %swap3A_358, %swap3A_359] : memref<1x64x1x16x468xf32, #tpu.memory_space<vmem>>, vector<1x64x1x1x468xf32>
    %swap3A_361 = vector.shape_cast %swap3A_360 : vector<1x64x1x1x468xf32> to vector<64x468xf32>
    %swap3A_362 = vector.shape_cast %slice3A_354 : vector<64x468xf32> to vector<1x64x1x1x468xf32>
    tpu.vector_store %arg5[%swap3A_355, %swap3A_356, %swap3A_357, %swap3A_358, %swap3A_359], %swap3A_362 {strides = array<i32>} : memref<1x64x1x16x468xf32, #tpu.memory_space<vmem>>, vector<1x64x1x1x468xf32>,
    %mul3A_363 = arith.constant 16 : i32
    %mul3A_364 = arith.muli %arg2, %mul3A_363 : i32
    %add3A_365 = arith.constant 12 : i32
    %add3A_366 = arith.addi %mul3A_364, %add3A_365 : i32
    %get3A_367 = arith.index_cast %arg0 : i32 to index
    %get3A_368 = arith.index_cast %arg1 : i32 to index
    %get3A_369 = arith.index_cast %add3A_366 : i32 to index
    %get3A_370 = memref.load %arg3[%get3A_367, %get3A_368, %get3A_369] : memref<2x2x481xi32, #tpu.memory_space<smem>>
    %add3A_371 = arith.constant 4 : i32
    %add3A_372 = arith.addi %add3A_366, %add3A_371 : i32
    %get3A_373 = arith.index_cast %arg0 : i32 to index
    %get3A_374 = arith.index_cast %arg1 : i32 to index
    %get3A_375 = arith.index_cast %add3A_372 : i32 to index
    %get3A_376 = memref.load %arg3[%get3A_373, %get3A_374, %get3A_375] : memref<2x2x481xi32, #tpu.memory_space<smem>>
    %jit3A_377 = arith.constant 8 : i32
    %div3A_378 = arith.divsi %get3A_370, %jit3A_377 : i32
    %sign3A_379 = arith.constant 0 : i32
    %sign3A_380 = arith.cmpi sgt, %get3A_370, %sign3A_379 : i32
    %sign3A_381 = arith.extui %sign3A_380 : i1 to i32
    %sign3A_382 = arith.constant 0 : i32
    %sign3A_383 = arith.cmpi slt, %get3A_370, %sign3A_382 : i32
    %sign3A_384 = arith.extui %sign3A_383 : i1 to i32
    %sign3A_385 = arith.subi %sign3A_381, %sign3A_384 : i32
    %sign3A_386 = arith.constant 0 : i32
    %sign3A_387 = arith.cmpi sgt, %jit3A_377, %sign3A_386 : i32
    %sign3A_388 = arith.extui %sign3A_387 : i1 to i32
    %sign3A_389 = arith.constant 0 : i32
    %sign3A_390 = arith.cmpi slt, %jit3A_377, %sign3A_389 : i32
    %sign3A_391 = arith.extui %sign3A_390 : i1 to i32
    %sign3A_392 = arith.subi %sign3A_388, %sign3A_391 : i32
    %ne3A_393 = arith.cmpi ne, %sign3A_385, %sign3A_392 : i32
    %rem3A_394 = arith.remsi %get3A_370, %jit3A_377 : i32
    %ne3A_395 = arith.constant 0 : i32
    %ne3A_396 = arith.cmpi ne, %rem3A_394, %ne3A_395 : i32
    %and3A_397 = arith.andi %ne3A_393, %ne3A_396 : i1
    %sub3A_398 = arith.constant 1 : i32
    %sub3A_399 = arith.subi %div3A_378, %sub3A_398 : i32
    %select_n3A_400 = arith.select %and3A_397, %sub3A_399, %div3A_378 : i32
    %mul3A_401 = arith.constant 8 : i32
    %mul3A_402 = arith.muli %select_n3A_400, %mul3A_401 : i32
    %sub3A_403 = arith.subi %get3A_376, %mul3A_402 : i32
    %add3A_404 = arith.constant 128 : i32
    %add3A_405 = arith.addi %sub3A_403, %add3A_404 : i32
    %sub3A_406 = arith.constant 1 : i32
    %sub3A_407 = arith.subi %add3A_405, %sub3A_406 : i32
    %jit3A_408 = arith.constant 128 : i32
    %div3A_409 = arith.divsi %sub3A_407, %jit3A_408 : i32
    %sign3A_410 = arith.constant 0 : i32
    %sign3A_411 = arith.cmpi sgt, %sub3A_407, %sign3A_410 : i32
    %sign3A_412 = arith.extui %sign3A_411 : i1 to i32
    %sign3A_413 = arith.constant 0 : i32
    %sign3A_414 = arith.cmpi slt, %sub3A_407, %sign3A_413 : i32
    %sign3A_415 = arith.extui %sign3A_414 : i1 to i32
    %sign3A_416 = arith.subi %sign3A_412, %sign3A_415 : i32
    %sign3A_417 = arith.constant 0 : i32
    %sign3A_418 = arith.cmpi sgt, %jit3A_408, %sign3A_417 : i32
    %sign3A_419 = arith.extui %sign3A_418 : i1 to i32
    %sign3A_420 = arith.constant 0 : i32
    %sign3A_421 = arith.cmpi slt, %jit3A_408, %sign3A_420 : i32
    %sign3A_422 = arith.extui %sign3A_421 : i1 to i32
    %sign3A_423 = arith.subi %sign3A_419, %sign3A_422 : i32
    %ne3A_424 = arith.cmpi ne, %sign3A_416, %sign3A_423 : i32
    %rem3A_425 = arith.remsi %sub3A_407, %jit3A_408 : i32
    %ne3A_426 = arith.constant 0 : i32
    %ne3A_427 = arith.cmpi ne, %rem3A_425, %ne3A_426 : i32
    %and3A_428 = arith.andi %ne3A_424, %ne3A_427 : i1
    %sub3A_429 = arith.constant 1 : i32
    %sub3A_430 = arith.subi %div3A_409, %sub3A_429 : i32
    %select_n3A_431 = arith.select %and3A_428, %sub3A_430, %div3A_409 : i32
    %mul3A_432 = arith.constant 438048 : i32
    %mul3A_433 = arith.muli %arg0, %mul3A_432 : i32
    %mul3A_434 = arith.constant 219024 : i32
    %mul3A_435 = arith.muli %arg1, %mul3A_434 : i32
    %add3A_436 = arith.addi %mul3A_433, %mul3A_435 : i32
    %mul3A_437 = arith.constant 468 : i32
    %mul3A_438 = arith.muli %add3A_366, %mul3A_437 : i32
    %add3A_439 = arith.addi %add3A_436, %mul3A_438 : i32
    %broadcast_in_dim3A_440 = arith.constant 0.000000e+00 : f32
    %broadcast_in_dim3A_441 = vector.broadcast %broadcast_in_dim3A_440 : f32 to vector<64x1872xf32>
    %while3A_442 = arith.constant 0 : i32
    %while3A_443 = arith.subi %select_n3A_431, %while3A_442 : i32
    %while3A_444 = arith.addi %while3A_442, %while3A_443 : i32
    %while3A_445 = arith.constant 1 : i32
    %while3A_446 = arith.divsi %while3A_443, %while3A_445 : i32
    %while3A_447 = arith.muli %while3A_446, %while3A_445 : i32
    %while3A_448 = arith.addi %while3A_442, %while3A_447 : i32
    %while3A_449 = arith.constant 1 : i32
    %while3A_450 = scf.for %while3A_489 = %while3A_442 to %while3A_448 step %while3A_449 iter_args(%while3A_490 = %broadcast_in_dim3A_441) -> (vector<64x1872xf32>)  : i32 {
      %mul3A_491 = arith.constant 128 : i32
      %mul3A_492 = arith.muli %while3A_489, %mul3A_491 : i32
      %add3A_493 = arith.addi %mul3A_402, %mul3A_492 : i32
      %get3A_494 = arith.index_cast %add3A_493 : i32 to index
      %get3A_495 = arith.constant 0 : index
      %get3A_496 = vector.load %arg4[%get3A_494, %get3A_495] : memref<50176x128xf32, #tpu.memory_space<vmem>>, vector<128x128xf32>
      %slice3A_497 = vector.extract_strided_slice %get3A_496 {offsets = [0, 64], sizes = [128, 1], strides = [1, 1]} : vector<128x128xf32> to vector<128x1xf32>
      %convert_element_type3A = arith.fptosi %slice3A_497 : vector<128x1xf32> to vector<128x1xi32>
      %sub3A_498 = vector.broadcast %add3A_439 : i32 to vector<128x1xi32>
      %sub3A_499 = arith.subi %convert_element_type3A, %sub3A_498 : vector<128x1xi32>
      %eq3A = vector.broadcast %sub3A_499 : vector<128x1xi32> to vector<128x1872xi32>
      %eq3A_500 = arith.cmpi eq, %eq3A, %iota3A : vector<128x1872xi32>
      %convert_element_type3A_501 = arith.extui %eq3A_500 : vector<128x1872xi1> to vector<128x1872xi32>
      %convert_element_type3A_502 = arith.sitofp %convert_element_type3A_501 : vector<128x1872xi32> to vector<128x1872xf32>
      %slice3A_503 = vector.extract_strided_slice %get3A_496 {offsets = [0, 0], sizes = [128, 64], strides = [1, 1]} : vector<128x128xf32> to vector<128x64xf32>
      %dot_general3A = arith.constant dense<0.000000e+00> : vector<64x1872xf32>
      %dot_general3A_504 = tpu.matmul %slice3A_503, %convert_element_type3A_502, %dot_general3A {dimension_numbers = #tpu.dot_dimension_numbers<[0], [0], [1], [1], [0, 1, 1, 1], [], []>, transpose_lhs_hint = false} : vector<128x64xf32>, vector<128x1872xf32>, vector<64x1872xf32> -> vector<64x1872xf32>
      %add3A_505 = arith.addf %while3A_490, %dot_general3A_504 : vector<64x1872xf32>
      scf.yield %add3A_505 : vector<64x1872xf32>
    }
    %while3A_451 = arith.constant 1 : i32
    %while3A_452 = scf.for %while3A_489 = %while3A_448 to %while3A_444 step %while3A_451 iter_args(%while3A_490 = %while3A_450) -> (vector<64x1872xf32>)  : i32 {
      %mul3A_491 = arith.constant 128 : i32
      %mul3A_492 = arith.muli %while3A_489, %mul3A_491 : i32
      %add3A_493 = arith.addi %mul3A_402, %mul3A_492 : i32
      %get3A_494 = arith.index_cast %add3A_493 : i32 to index
      %get3A_495 = arith.constant 0 : index
      %get3A_496 = vector.load %arg4[%get3A_494, %get3A_495] : memref<50176x128xf32, #tpu.memory_space<vmem>>, vector<128x128xf32>
      %slice3A_497 = vector.extract_strided_slice %get3A_496 {offsets = [0, 64], sizes = [128, 1], strides = [1, 1]} : vector<128x128xf32> to vector<128x1xf32>
      %convert_element_type3A = arith.fptosi %slice3A_497 : vector<128x1xf32> to vector<128x1xi32>
      %sub3A_498 = vector.broadcast %add3A_439 : i32 to vector<128x1xi32>
      %sub3A_499 = arith.subi %convert_element_type3A, %sub3A_498 : vector<128x1xi32>
      %eq3A = vector.broadcast %sub3A_499 : vector<128x1xi32> to vector<128x1872xi32>
      %eq3A_500 = arith.cmpi eq, %eq3A, %iota3A : vector<128x1872xi32>
      %convert_element_type3A_501 = arith.extui %eq3A_500 : vector<128x1872xi1> to vector<128x1872xi32>
      %convert_element_type3A_502 = arith.sitofp %convert_element_type3A_501 : vector<128x1872xi32> to vector<128x1872xf32>
      %slice3A_503 = vector.extract_strided_slice %get3A_496 {offsets = [0, 0], sizes = [128, 64], strides = [1, 1]} : vector<128x128xf32> to vector<128x64xf32>
      %dot_general3A = arith.constant dense<0.000000e+00> : vector<64x1872xf32>
      %dot_general3A_504 = tpu.matmul %slice3A_503, %convert_element_type3A_502, %dot_general3A {dimension_numbers = #tpu.dot_dimension_numbers<[0], [0], [1], [1], [0, 1, 1, 1], [], []>, transpose_lhs_hint = false} : vector<128x64xf32>, vector<128x1872xf32>, vector<64x1872xf32> -> vector<64x1872xf32>
      %add3A_505 = arith.addf %while3A_490, %dot_general3A_504 : vector<64x1872xf32>
      scf.yield %add3A_505 : vector<64x1872xf32>
    }
    %slice3A_453 = vector.extract_strided_slice %while3A_452 {offsets = [0, 0], sizes = [64, 468], strides = [1, 1]} : vector<64x1872xf32> to vector<64x468xf32>
    %swap3A_454 = arith.constant 0 : index
    %swap3A_455 = arith.constant 0 : index
    %swap3A_456 = arith.constant 0 : index
    %swap3A_457 = arith.constant 12 : index
    %swap3A_458 = arith.constant 0 : index
    %swap3A_459 = vector.load %arg5[%swap3A_454, %swap3A_455, %swap3A_456, %swap3A_457, %swap3A_458] : memref<1x64x1x16x468xf32, #tpu.memory_space<vmem>>, vector<1x64x1x1x468xf32>
    %swap3A_460 = vector.shape_cast %swap3A_459 : vector<1x64x1x1x468xf32> to vector<64x468xf32>
    %swap3A_461 = vector.shape_cast %slice3A_453 : vector<64x468xf32> to vector<1x64x1x1x468xf32>
    tpu.vector_store %arg5[%swap3A_454, %swap3A_455, %swap3A_456, %swap3A_457, %swap3A_458], %swap3A_461 {strides = array<i32>} : memref<1x64x1x16x468xf32, #tpu.memory_space<vmem>>, vector<1x64x1x1x468xf32>,
    %slice3A_462 = vector.extract_strided_slice %while3A_452 {offsets = [0, 468], sizes = [64, 468], strides = [1, 1]} : vector<64x1872xf32> to vector<64x468xf32>
    %swap3A_463 = arith.constant 0 : index
    %swap3A_464 = arith.constant 0 : index
    %swap3A_465 = arith.constant 0 : index
    %swap3A_466 = arith.constant 13 : index
    %swap3A_467 = arith.constant 0 : index
    %swap3A_468 = vector.load %arg5[%swap3A_463, %swap3A_464, %swap3A_465, %swap3A_466, %swap3A_467] : memref<1x64x1x16x468xf32, #tpu.memory_space<vmem>>, vector<1x64x1x1x468xf32>
    %swap3A_469 = vector.shape_cast %swap3A_468 : vector<1x64x1x1x468xf32> to vector<64x468xf32>
    %swap3A_470 = vector.shape_cast %slice3A_462 : vector<64x468xf32> to vector<1x64x1x1x468xf32>
    tpu.vector_store %arg5[%swap3A_463, %swap3A_464, %swap3A_465, %swap3A_466, %swap3A_467], %swap3A_470 {strides = array<i32>} : memref<1x64x1x16x468xf32, #tpu.memory_space<vmem>>, vector<1x64x1x1x468xf32>,
    %slice3A_471 = vector.extract_strided_slice %while3A_452 {offsets = [0, 936], sizes = [64, 468], strides = [1, 1]} : vector<64x1872xf32> to vector<64x468xf32>
    %swap3A_472 = arith.constant 0 : index
    %swap3A_473 = arith.constant 0 : index
    %swap3A_474 = arith.constant 0 : index
    %swap3A_475 = arith.constant 14 : index
    %swap3A_476 = arith.constant 0 : index
    %swap3A_477 = vector.load %arg5[%swap3A_472, %swap3A_473, %swap3A_474, %swap3A_475, %swap3A_476] : memref<1x64x1x16x468xf32, #tpu.memory_space<vmem>>, vector<1x64x1x1x468xf32>
    %swap3A_478 = vector.shape_cast %swap3A_477 : vector<1x64x1x1x468xf32> to vector<64x468xf32>
    %swap3A_479 = vector.shape_cast %slice3A_471 : vector<64x468xf32> to vector<1x64x1x1x468xf32>
    tpu.vector_store %arg5[%swap3A_472, %swap3A_473, %swap3A_474, %swap3A_475, %swap3A_476], %swap3A_479 {strides = array<i32>} : memref<1x64x1x16x468xf32, #tpu.memory_space<vmem>>, vector<1x64x1x1x468xf32>,
    %slice3A_480 = vector.extract_strided_slice %while3A_452 {offsets = [0, 1404], sizes = [64, 468], strides = [1, 1]} : vector<64x1872xf32> to vector<64x468xf32>
    %swap3A_481 = arith.constant 0 : index
    %swap3A_482 = arith.constant 0 : index
    %swap3A_483 = arith.constant 0 : index
    %swap3A_484 = arith.constant 15 : index
    %swap3A_485 = arith.constant 0 : index
    %swap3A_486 = vector.load %arg5[%swap3A_481, %swap3A_482, %swap3A_483, %swap3A_484, %swap3A_485] : memref<1x64x1x16x468xf32, #tpu.memory_space<vmem>>, vector<1x64x1x1x468xf32>
    %swap3A_487 = vector.shape_cast %swap3A_486 : vector<1x64x1x1x468xf32> to vector<64x468xf32>
    %swap3A_488 = vector.shape_cast %slice3A_480 : vector<64x468xf32> to vector<1x64x1x1x468xf32>
    tpu.vector_store %arg5[%swap3A_481, %swap3A_482, %swap3A_483, %swap3A_484, %swap3A_485], %swap3A_488 {strides = array<i32>} : memref<1x64x1x16x468xf32, #tpu.memory_space<vmem>>, vector<1x64x1x1x468xf32>,
    return
  }
  func.func @transform_0(%arg0: i32, %arg1: i32, %arg2: i32, %arg3: memref<2x2x481xi32, #tpu.memory_space<smem>>) -> (i32, i32) {
    %c0_i32 = arith.constant 0 : i32
    %c0_i32_0 = arith.constant 0 : i32
    %c0_i32_1 = arith.constant 0 : i32
    return %c0_i32, %c0_i32_0 : i32, i32
  }
  func.func @transform_1(%arg0: i32, %arg1: i32, %arg2: i32, %arg3: memref<2x2x481xi32, #tpu.memory_space<smem>>) -> (i32, i32, i32, i32, i32) {
    %c0_i32 = arith.constant 0 : i32
    %c0_i32_0 = arith.constant 0 : i32
    %c0_i32_1 = arith.constant 0 : i32
    return %arg0, %c0_i32, %arg1, %arg2, %c0_i32_0 : i32, i32, i32, i32, i32
  }
}

</mosaic_0001>

<sc_bundles>
// kernel: kernel.4.cloned.1.call-start
scs
__scs_entry_jumppad:
0x0: {  	(pc) =	sbr.rel $0x88, $3  }
0x1: {  	(tag) =	ssettag $0x0;
	lr =	simm.s32 $0x1  }
0x2: {  	[smem:$0x3F9F] =	sst lr;
	_ =	strace $0xD0000000  }
0x3: {  	_ = 	snop  }
0x4: {  	_ = 	snop  }
0x5: {  	_ = 	snop  }
0x6: {  	_ = 	snop  }
0x7: {  	_ = 	snop  }
__scs_overlays_trampoline_lowered:
0x8: {  	[smem:$0x3FAE] =	sst s0  }
0x9: {  	[smem:$0x3FAF] =	sst s1  }
0xa: {  	[smem:$0x3FB0] =	sst s2  }
0xb: {  	[smem:$0x3FB1] =	sst s3  }
0xc: {  	[smem:$0x3FB2] =	sst s4  }
0xd: {  	[smem:$0x3FB3] =	sst s5  }
0xe: {  	[smem:$0x3FB4] =	sst s6  }
0xf: {  	[smem:$0x3FB5] =	sst s7  }
0x10: {  	[smem:$0x3FB6] =	sst s8  }
0x11: {  	[smem:$0x3FB7] =	sst s9;
	s0 =	simm.s32 @!p0 $0x0  }
0x12: {  	s1 =	sld [smem:$0x3F9D];
	s0 =	simm.s32 @p0 $0x1  }
0x13: {  	[smem:$0x3FB8] =	sst s0;
	s0 =	simm.s32 @!p1 $0x0  }
0x14: {  	s2 =	sld [smem:$0x3F9C];
	s0 =	simm.s32 @p1 $0x1  }
0x15: {  	[smem:$0x3FB9] =	sst s0;
	s0 =	simm.s32 @!p2 $0x0  }
0x16: {  	s3 =	sld [smem:$0x3FDB];
	s0 =	simm.s32 @p2 $0x1  }
0x17: {  	s4 =	simm.s32 $0x1BF5;
	[smem:$0x3FBB] =	sst s0  }
0x18: {  	s0 =	sld [smem:$0x3F9E];
	_ =	swait.ge [sflag:s4], $0x0  }
0x19: {  	s7 =	sld [smem:$0x3F9F]  }
0x1a: {  	s8 =	sadd.s32 $0xFFFFE003, lr  }
0x1b: {  	s9 =	sadd.s32 $0xFFFFFEF7, lr;
	s5 =	simm.s32 $0xFFFFFFFF;
	p2 =	slt.u32 s8, $0xFFFFF086  }
0x1c: {  	p1 =	slt.u32 s9, $0xF7A;
	s5 =	simm.s32 @!p2 $0x0  }
0x1d: {  	s5 =	simm.s32 @p1 $0x1;
	p0 =	seq.s32 s7, s2  }
0x1e: {  	s7 =	smul.u32 @!p0 $0xF7A, s2;
	p2 =	seq.s32 @!p0 s5, $0x0  }
0x1f: {  	s9 =	smul.u32 $0xF7A, s1;
	s8 =	simm.s32 @!p0 $0x1BF5;
	p2 =	por !p2, p0  }
0x20: {  	[sflag:s8] =	ssyncset.s32 @!p0 $0xFFFFF086;
	s6 =	sadd.s32 @!p0 s3, s7;
	s7 =	simm.s32 @!p0 $0x108  }
0x21: {  	s3 =	sadd.s32 s3, s9;
	s6 =	sadd.s32 @!p0 $0x88, s6;
	s7 =	simm.s32 @p2 $0x1082  }
0x22: {  	[simem:s7], [sflag:s8] =	dma.local @!p0 [hbm:s6], $0xF7A  }
0x23: {  	s9 =	sor.u32 $0xD0000000, s2;
	s6 =	simm.s32 $0x108;
	_ =	swait.ge @!p0 [sflag:s8], $0x0  }
0x24: {  	s3 =	sadd.s32 $0x88, s3;
	s6 =	simm.s32 @!p1 $0x1082;
	[sflag:s4] =	ssyncset.s32 $0xFFFFF086  }
0x25: {  	[simem:s6], [sflag:s4] =	dma.local [hbm:s3], $0xF7A  }
0x26: {  	[smem:$0x3F9F] =	sst s1;
	(tag) =	ssettag s2;
	_ =	strace s9  }
0x27: {  	s1 =	sld [smem:$0x3FAF]  }
0x28: {  	s2 =	sld [smem:$0x3FB0]  }
0x29: {  	s4 =	sld [smem:$0x3FB2]  }
0x2a: {  	p0 =	seq.s32 s5, $0x0;
	s5 =	sld [smem:$0x3FB3]  }
0x2b: {  	s6 =	sld [smem:$0x3FB4]  }
0x2c: {  	s7 =	sld [smem:$0x3FB5]  }
0x2d: {  	s3 =	simm.s32 $0x108;
	s8 =	sld [smem:$0x3FB6]  }
0x2e: {  	s3 =	simm.s32 @!p0 $0x1082;
	s9 =	sld [smem:$0x3FB7]  }
0x2f: {  	lr =	sadd.s32 s0, s3;
	s0 =	sld [smem:$0x3FAE]  }
0x30: {  	s3 =	sld [smem:$0x3FB1]  }
0x31: {  	[smem:$0x3FBA] =	sst s10  }
0x32: {  	s10 =	sld [smem:$0x3FB8];
	_ =	sdelay $0x3  }
0x33: {  	p0 =	seq.s32 s10, $0x1;
	s10 =	sld [smem:$0x3FBA];
	_ =	sdelay $0x3  }
0x34: {  	[smem:$0x3FBA] =	sst s10  }
0x35: {  	s10 =	sld [smem:$0x3FB9];
	_ =	sdelay $0x3  }
0x36: {  	p1 =	seq.s32 s10, $0x1;
	s10 =	sld [smem:$0x3FBA];
	_ =	sdelay $0x3  }
0x37: {  	[smem:$0x3FBA] =	sst s10  }
0x38: {  	s10 =	sld [smem:$0x3FBB]  }
0x39: {  	_ = 	snop;
	(pc) =	sbr.ind lr, $3  }
0x3a: {  	_ = 	snop  }
0x3b: {  	_ = 	snop  }
0x3c: {  	p2 =	seq.s32 s10, $0x1;
	s10 =	sld [smem:$0x3FBA]  }
0x3d: {  	_ =	shalt  }
0x3e: {  	_ =	shalt  }
0x3f: {  	_ =	shalt  }
0x40: {  	_ =	shalt  }
0x41: {  	_ =	shalt  }
0x42: {  	_ =	shalt  }
0x43: {  	_ =	shalt  }
0x44: {  	_ =	shalt  }
0x45: {  	_ =	shalt  }
0x46: {  	_ =	shalt  }
0x47: {  	_ =	shalt  }
0x48: {  	_ =	shalt  }
0x49: {  	_ =	shalt  }
0x4a: {  	_ =	shalt  }
0x4b: {  	_ =	shalt  }
0x4c: {  	_ =	shalt  }
0x4d: {  	_ =	shalt  }
0x4e: {  	_ =	shalt  }
0x4f: {  	_ =	shalt  }
0x50: {  	_ =	shalt  }
0x51: {  	_ =	shalt  }
0x52: {  	_ =	shalt  }
0x53: {  	_ =	shalt  }
0x54: {  	_ =	shalt  }
0x55: {  	_ =	shalt  }
0x56: {  	_ =	shalt  }
0x57: {  	_ =	shalt  }
0x58: {  	_ =	shalt  }
0x59: {  	_ =	shalt  }
0x5a: {  	_ =	shalt  }
0x5b: {  	_ =	shalt  }
0x5c: {  	_ =	shalt  }
0x5d: {  	_ =	shalt  }
0x5e: {  	_ =	shalt  }
0x5f: {  	_ =	shalt  }
0x60: {  	_ =	shalt  }
0x61: {  	_ =	shalt  }
0x62: {  	_ =	shalt  }
0x63: {  	_ =	shalt  }
0x64: {  	_ =	shalt  }
0x65: {  	_ =	shalt  }
0x66: {  	_ =	shalt  }
0x67: {  	_ =	shalt  }
0x68: {  	_ =	shalt  }
0x69: {  	_ =	shalt  }
0x6a: {  	_ =	shalt  }
0x6b: {  	_ =	shalt  }
0x6c: {  	_ =	shalt  }
0x6d: {  	_ =	shalt  }
0x6e: {  	_ =	shalt  }
0x6f: {  	_ =	shalt  }
0x70: {  	_ =	shalt  }
0x71: {  	_ =	shalt  }
0x72: {  	_ =	shalt  }
0x73: {  	_ =	shalt  }
0x74: {  	_ =	shalt  }
0x75: {  	_ =	shalt  }
0x76: {  	_ =	shalt  }
0x77: {  	_ =	shalt  }
0x78: {  	_ =	shalt  }
0x79: {  	_ =	shalt  }
0x7a: {  	_ =	shalt  }
0x7b: {  	_ =	shalt  }
0x7c: {  	_ =	shalt  }
0x7d: {  	_ =	shalt  }
0x7e: {  	_ =	shalt  }
0x7f: {  	_ =	shalt  }
0x80: {  	_ =	shalt  }
0x81: {  	_ =	shalt  }
0x82: {  	_ =	shalt  }
0x83: {  	_ =	shalt  }
0x84: {  	_ =	shalt  }
0x85: {  	_ =	shalt  }
0x86: {  	_ =	shalt  }
0x87: {  	_ =	shalt  }
.Lfunc_end0:
.L_simem_size_0:
called_computation.1_lowered:
.L_overlay_start_0:
0x88: {  	s2 =	sld [smem:$0x3FD9]  }
0x89: {  	s3 =	sld [smem:$0x3FFE];
	_ =	sdelay $0x1  }
0x8a: {  	s1 =	srdreg.scid  }
0x8b: {  	s0 =	sand.u32 $0x1, s1  }
0x8c: {  	s17 =	sshll.u32 s0, $0xA;
	s2 =	sadd.s32 s3, s2  }
0x8d: {  	s2 =	sadd.s32 s2, s17  }
0x8e: {  	[smem:$0x3FC6] =	sst s2  }
0x8f: {  	_ = 	snop  }
0x90: {  	s2 =	sld [smem:$0x3FD0];
	(tm) =	ssettm $0x1  }
0x91: {  	s18 =	sld [smem:$0x3FFB];
	_ =	sdelay $0x3  }
0x92: {  	_ =	strace s18  }
0x93: {  	s3 =	sld [smem:$0x3FFC];
	_ =	sdelay $0x3  }
0x94: {  	_ =	strace s3  }
0x95: {  	s3 =	sld [smem:$0x3FFD];
	_ =	sdelay $0x3  }
0x96: {  	_ =	strace s3  }
0x97: {  	_ =	strace $0x8FFFFFFF  }
0x98: {  	s19 =	sld [smem:$0x3FDB];
	_ =	sdelay $0x1  }
0x99: {  	s4 =	simm.s32 $_scs_section_size  }
0x9a: {  	s5 =	simm.s32 $_size__tile_overlayer_lowered;
	s6 =	simm.s32 $_tile_overlayer_lowered  }
0x9b: {  	s22 =	simm.s32 $0x1BFF;
	s21 =	sshll.u32 s6, $0x1;
	s3 =	sadd.s32 s4, s19  }
0x9c: {  	s7 =	simm.s32 $0x0;
	s20 =	sshll.u32 s5, $0x1;
	s5 =	sadd.s32 s21, s3  }
0x9d: {  	[timem:s7], [sflag:s22] =	dma.local [hbm:s5], s20  }
0x9e: {  	_ =	swait.ge [sflag:s22], s20  }
0x9f: {  	s4 =	ssub.s32 $0x0, s20;
	[sflag:s22] =	ssyncset.done $0x0  }
0xa0: {  	[sflag:s22] =	ssyncadd.s32 s4;
	_ =	sdelay $0x1  }
0xa1: {  	s23 =	simm.s32 $0x1B8B  }
0xa2: {  	_ =	swait.ge [sflag:s23], $0x1  }
0xa3: {  	[sflag:s23] =	ssyncset.done $0x0  }
0xa4: {  	s25 =	simm.s32 $0x1B8E;
	s24 =	sld [smem:$0x3FFE];
	[sflag:s23] =	ssyncadd.s32 $0xFFFFFFFF  }
0xa5: {  	s26 =	simm.s32 $execute0_lowered;
	[smem:$0x3FD2] =	sst s25  }
0xa6: {  	s5 =	sshll.u32 s26, $0x1;
	_ =	strace $0x80000046;
	[dreg:$0x1] =	wrdreg $0xFFFFFFFF  }
0xa7: {  	s28 =	simm.s32 $_size_execute0_lowered;
	s3 =	sadd.s32 s3, s5;
	[dreg:$0x0] =	wrdreg $0x0  }
0xa8: {  	s5 =	sshll.u32 s28, $0x1;
	[dreg:$0x2] =	wrdreg s3  }
0xa9: {  	[dreg:$0x3] =	wrdreg s5  }
0xaa: {  	[dreg:$0x4] =	wrdreg $0xC0  }
0xab: {  	_ =	task [dreg:s7], $0x5FFFF  }
0xac: {  	[dreg:$0x1] =	wrdreg $0xFFFFFFFF  }
0xad: {  	[dreg:$0x0] =	wrdreg $0x60  }
0xae: {  	[dreg:$0x2] =	wrdreg s24  }
0xaf: {  	[dreg:$0x3] =	wrdreg s2  }
0xb0: {  	[dreg:$0x4] =	wrdreg $0x9  }
0xb1: {  	_ =	task.clear_ibuf [dreg:s7], $0x5FFFF;
	_ =	strace $0x90000046  }
0xb2: {  	s29 =	simm.s32 $0x9;
	_ =	strace $0x80000048  }
0xb3: {  	_ =	swait.ge [sflag:s29], $0x1  }
0xb4: {  	[sflag:s29] =	ssyncadd.s32 $0xFFFFFFFF  }
0xb5: {  	_ =	strace $0x90000048  }
0xb6: {  	_ =	sfence  }
0xb7: {  	s30 =	sld [smem:$0x0];
	_ =	sdelay $0x2  }
0xb8: {  	s31 =	sshll.u32 s1, $0xD;
	s1 =	sshrl.u32 s1, $0x2  }
0xb9: {  	s3 =	sand.u32 $0x4000, s31;
	s1 =	sadd.s32 s1, s30  }
0xba: {  	s0 =	sor.u32 s3, s0;
	s1 =	sshll.u32 s1, $0x11  }
0xbb: {  	s0 =	sor.u32 s1, s0  }
0xbc: {  	s0 =	sadd.s32 $0x8F2B, s0  }
0xbd: {  	[sflag:s0] =	ssyncadd.remote.s32 $0x1  }
0xbe: {  	_ =	sfence.sel $0xFFFF  }
0xbf: {  	[dreg:$0x0] =	wrdreg $0xFFFFFFFF;
	(pc) =	sbr.abs _section_cstart, $3  }
0xc0: {  	[dreg:$0x1] =	wrdreg $0xFFFFFFFF  }
0xc1: {  	_ =	task.clear_ibuf [dreg:s7], $0x2FFFF;
	_ =	strace $0x9FFFFFFF  }
0xc2: {  	(tm) =	ssettm $0x7FFFFFFF  }
0xc3: {  	_ =	shalt  }
tec
execute0_lowered:
.L_overlay_start_1:
0x0: {  	(tag) =	ssettag $0x1  }
0x1: {  	s1 =	srdreg.scid;
	s0 =	stileid.u32  }
0x2: {  	s30 =	sand.u32 $0x1, s1;
	s31 =	sshll.u32 s0, $0x1  }
0x3: {  	s31 =	sor.u32 s30, s31  }
0x4: {  	s2 =	rddreg [dreg:$0x0];
	s4 =	smul.u32 $0xC4, s31  }
0x5: {  	s29 =	rddreg [dreg:$0x1];
	s3 =	simm.s32 $0x0  }
0x6: {  	[smem:$0x7FF] =	sst s3;
	s4 =	sadd.s32 s4, s2  }
0x7: {  	_ =	strace $0x80000047;
	s5 =	sadd.s32 $0x187200, s4;
	s4 =	simm.s32 $0x2  }
0x8: {  	[tilespmem:s3], [sflag:$0x2] =	stream.linear.gather [hbm4b:s5+s3], $0x620, $0x38;
	[tilespmem:$0x18E80] =	vst v63  }
0x9: {  	_ =	swait.ge [sflag:s4], $0x620  }
0xa: {  	[sflag:s4] =	ssyncset.done $0x0  }
0xb: {  	s6 =	simm.s32 $0x70;
	s7 =	simm.s32 $0x680;
	[sflag:s4] =	ssyncadd.s32 $0xFFFFF9E0  }
0xc: {  	[tilespmem:s7], [sflag:$0x1] =	stream.indirect.gather [hbm4b:s2+s6], $0x80, s3, s6, $0xb8;
	[tilespmem:$0x18E80] =	vst v63  }
0xd: {  	s8 =	simm.s32 $0x3E80  }
0xe: {  	[tilespmem:s8], [sflag:$0x1] =	stream.indirect.gather [hbm4b:s2+s6], $0x80, s6, s6, $0xb8;
	[tilespmem:$0x18E80] =	vst v63  }
0xf: {  	s9 =	simm.s32 $0xE0;
	s10 =	simm.s32 $0x7680  }
0x10: {  	[tilespmem:s10], [sflag:$0x1] =	stream.indirect.gather [hbm4b:s2+s6], $0x80, s9, s6, $0xb8;
	[tilespmem:$0x18E80] =	vst v63  }
0x11: {  	s11 =	simm.s32 $0x150;
	s12 =	simm.s32 $0xAE80  }
0x12: {  	[tilespmem:s12], [sflag:$0x1] =	stream.indirect.gather [hbm4b:s2+s6], $0x80, s11, s6, $0xb8;
	[tilespmem:$0x18E80] =	vst v63  }
0x13: {  	s13 =	simm.s32 $0x1C0;
	s14 =	simm.s32 $0xE680  }
0x14: {  	[tilespmem:s14], [sflag:$0x1] =	stream.indirect.gather [hbm4b:s2+s6], $0x80, s13, s6, $0xb8;
	[tilespmem:$0x18E80] =	vst v63  }
0x15: {  	s15 =	simm.s32 $0x230;
	s16 =	simm.s32 $0x11E80  }
0x16: {  	[tilespmem:s16], [sflag:$0x1] =	stream.indirect.gather [hbm4b:s2+s6], $0x80, s15, s6, $0xb8;
	[tilespmem:$0x18E80] =	vst v63  }
0x17: {  	s17 =	simm.s32 $0x2A0;
	s18 =	simm.s32 $0x15680;
	s19 =	simm.s32 $0x1  }
0x18: {  	[tilespmem:s18], [sflag:$0x1] =	stream.indirect.gather [hbm4b:s2+s6], $0x80, s17, s6, $0xb8;
	[tilespmem:$0x18E80] =	vst v63  }
0x19: {  	_ =	swait.ge [sflag:s19], $0x3800  }
0x1a: {  	[sflag:s19] =	ssyncset.done $0x0  }
0x1b: {  	[sflag:s19] =	ssyncadd.s32 $0xFFFFC800  }
0x1c: {  	_ =	swait.ge [sflag:s19], $0x3800  }
0x1d: {  	[sflag:s19] =	ssyncset.done $0x0  }
0x1e: {  	[sflag:s19] =	ssyncadd.s32 $0xFFFFC800  }
0x1f: {  	_ =	swait.ge [sflag:s19], $0x3800  }
0x20: {  	[sflag:s19] =	ssyncset.done $0x0  }
0x21: {  	[sflag:s19] =	ssyncadd.s32 $0xFFFFC800  }
0x22: {  	_ =	swait.ge [sflag:s19], $0x3800  }
0x23: {  	[sflag:s19] =	ssyncset.done $0x0  }
0x24: {  	[sflag:s19] =	ssyncadd.s32 $0xFFFFC800  }
0x25: {  	_ =	swait.ge [sflag:s19], $0x3800  }
0x26: {  	[sflag:s19] =	ssyncset.done $0x0  }
0x27: {  	[sflag:s19] =	ssyncadd.s32 $0xFFFFC800  }
0x28: {  	_ =	swait.ge [sflag:s19], $0x3800  }
0x29: {  	[sflag:s19] =	ssyncset.done $0x0  }
0x2a: {  	[sflag:s19] =	ssyncadd.s32 $0xFFFFC800  }
0x2b: {  	s20 =	smul.u32 $0x6200, s31;
	_ =	swait.ge [sflag:s19], $0x3800  }
0x2c: {  	[sflag:s19] =	ssyncset.done $0x0  }
0x2d: {  	s20 =	sadd.s32 s29, s20;
	[sflag:s19] =	ssyncadd.s32 $0xFFFFC800  }
0x2e: {  	[hbm4b:s20+s3] =	stream.linear.scatter [tilespmem:s7], [sflag:$0x2], $0x18800, $0x38;
	[tilespmem:$0x18E80] =	vst v63  }
0x2f: {  	_ =	swait.ge [sflag:s4], $0x18800  }
0x30: {  	[sflag:s4] =	ssyncset.done $0x0  }
0x31: {  	s21 =	simm.s32 $0x310;
	[sflag:s4] =	ssyncadd.s32 $0xFFFE7800  }
0x32: {  	[tilespmem:s7], [sflag:$0x1] =	stream.indirect.gather [hbm4b:s2+s6], $0x80, s21, s6, $0xb8;
	[tilespmem:$0x18E80] =	vst v63  }
0x33: {  	s22 =	simm.s32 $0x380  }
0x34: {  	[tilespmem:s8], [sflag:$0x1] =	stream.indirect.gather [hbm4b:s2+s6], $0x80, s22, s6, $0xb8;
	[tilespmem:$0x18E80] =	vst v63  }
0x35: {  	s23 =	simm.s32 $0x3F0  }
0x36: {  	[tilespmem:s10], [sflag:$0x1] =	stream.indirect.gather [hbm4b:s2+s6], $0x80, s23, s6, $0xb8;
	[tilespmem:$0x18E80] =	vst v63  }
0x37: {  	s24 =	simm.s32 $0x460  }
0x38: {  	[tilespmem:s12], [sflag:$0x1] =	stream.indirect.gather [hbm4b:s2+s6], $0x80, s24, s6, $0xb8;
	[tilespmem:$0x18E80] =	vst v63  }
0x39: {  	s25 =	simm.s32 $0x4D0  }
0x3a: {  	[tilespmem:s14], [sflag:$0x1] =	stream.indirect.gather [hbm4b:s2+s6], $0x80, s25, s6, $0xb8;
	[tilespmem:$0x18E80] =	vst v63  }
0x3b: {  	s26 =	simm.s32 $0x540  }
0x3c: {  	[tilespmem:s16], [sflag:$0x1] =	stream.indirect.gather [hbm4b:s2+s6], $0x80, s26, s6, $0xb8;
	[tilespmem:$0x18E80] =	vst v63  }
0x3d: {  	s28 =	simm.s32 $0x5B0  }
0x3e: {  	[tilespmem:s18], [sflag:$0x1] =	stream.indirect.gather [hbm4b:s2+s6], $0x80, s28, s6, $0xb8;
	[tilespmem:$0x18E80] =	vst v63  }
0x3f: {  	_ =	swait.ge [sflag:s19], $0x3800  }
0x40: {  	[sflag:s19] =	ssyncset.done $0x0  }
0x41: {  	[sflag:s19] =	ssyncadd.s32 $0xFFFFC800  }
0x42: {  	_ =	swait.ge [sflag:s19], $0x3800  }
0x43: {  	[sflag:s19] =	ssyncset.done $0x0  }
0x44: {  	[sflag:s19] =	ssyncadd.s32 $0xFFFFC800  }
0x45: {  	_ =	swait.ge [sflag:s19], $0x3800  }
0x46: {  	[sflag:s19] =	ssyncset.done $0x0  }
0x47: {  	[sflag:s19] =	ssyncadd.s32 $0xFFFFC800  }
0x48: {  	_ =	swait.ge [sflag:s19], $0x3800  }
0x49: {  	[sflag:s19] =	ssyncset.done $0x0  }
0x4a: {  	[sflag:s19] =	ssyncadd.s32 $0xFFFFC800  }
0x4b: {  	_ =	swait.ge [sflag:s19], $0x3800  }
0x4c: {  	[sflag:s19] =	ssyncset.done $0x0  }
0x4d: {  	s30 =	ssub.s32 $0x2, s30;
	[sflag:s19] =	ssyncadd.s32 $0xFFFFC800  }
0x4e: {  	s1 =	sshrl.u32 s30, $0x1;
	_ =	swait.ge [sflag:s19], $0x3800  }
0x4f: {  	s31 =	smul.u32 $0x31000, s31;
	s1 =	ssub.s32 s30, s1;
	[sflag:s19] =	ssyncset.done $0x0  }
0x50: {  	s1 =	smax.u32 s1, $0x1;
	[sflag:s19] =	ssyncadd.s32 $0xFFFFC800  }
0x51: {  	s31 =	sshrl.u32 s31, $0x3;
	p0 =	sne.s32 s1, $0x1;
	_ =	swait.ge [sflag:s19], $0x3800  }
.Ltmp0:
0x52: {  	s29 =	sadd.s32 s29, s31;
	[sflag:s19] =	ssyncset.done $0x0;
	(pc) =	sbr.rel @!p0 .LBB2_2-.Ltmp0, $4  }
0x53: {  	s29 =	sadd.s32 $0x3100, s29;
	[sflag:s19] =	ssyncadd.s32 $0xFFFFC800  }
0x54: {  	[hbm4b:s29+s3] =	stream.linear.scatter [tilespmem:s7], [sflag:$0x2], $0x18800, $0x38;
	[tilespmem:$0x18E80] =	vst v63  }
0x55: {  	_ =	swait.ge [sflag:s4], $0x18800  }
0x56: {  	s30 =	sadd.s32 $0xFFFFFFFF, s1;
	[sflag:s4] =	ssyncset.done $0x0  }
.LBB2_1:
0x57: {  	p0 =	sne.s32 s30, $0x1;
	s30 =	sadd.s32 $0xFFFFFFFF, s30;
	[sflag:s4] =	ssyncadd.s32 $0xFFFE7800  }
0x58: {  	[tilespmem:s3], [sflag:$0x2] =	stream.linear.gather [hbm4b:s5+s3], $0x620, $0x38;
	[tilespmem:$0x18E80] =	vst v63  }
0x59: {  	_ =	swait.ge [sflag:s4], $0x620  }
0x5a: {  	[sflag:s4] =	ssyncset.done $0x0  }
0x5b: {  	[sflag:s4] =	ssyncadd.s32 $0xFFFFF9E0  }
0x5c: {  	[tilespmem:s7], [sflag:$0x1] =	stream.indirect.gather [hbm4b:s2+s6], $0x80, s3, s6, $0xb8;
	[tilespmem:$0x18E80] =	vst v63  }
0x5d: {  	_ = 	snop  }
0x5e: {  	[tilespmem:s8], [sflag:$0x1] =	stream.indirect.gather [hbm4b:s2+s6], $0x80, s6, s6, $0xb8;
	[tilespmem:$0x18E80] =	vst v63  }
0x5f: {  	_ = 	snop  }
0x60: {  	[tilespmem:s10], [sflag:$0x1] =	stream.indirect.gather [hbm4b:s2+s6], $0x80, s9, s6, $0xb8;
	[tilespmem:$0x18E80] =	vst v63  }
0x61: {  	_ = 	snop  }
0x62: {  	[tilespmem:s12], [sflag:$0x1] =	stream.indirect.gather [hbm4b:s2+s6], $0x80, s11, s6, $0xb8;
	[tilespmem:$0x18E80] =	vst v63  }
0x63: {  	_ = 	snop  }
0x64: {  	[tilespmem:s14], [sflag:$0x1] =	stream.indirect.gather [hbm4b:s2+s6], $0x80, s13, s6, $0xb8;
	[tilespmem:$0x18E80] =	vst v63  }
0x65: {  	_ = 	snop  }
0x66: {  	[tilespmem:s16], [sflag:$0x1] =	stream.indirect.gather [hbm4b:s2+s6], $0x80, s15, s6, $0xb8;
	[tilespmem:$0x18E80] =	vst v63  }
0x67: {  	_ = 	snop  }
0x68: {  	[tilespmem:s18], [sflag:$0x1] =	stream.indirect.gather [hbm4b:s2+s6], $0x80, s17, s6, $0xb8;
	[tilespmem:$0x18E80] =	vst v63  }
0x69: {  	_ =	swait.ge [sflag:s19], $0x3800  }
0x6a: {  	[sflag:s19] =	ssyncset.done $0x0  }
0x6b: {  	[sflag:s19] =	ssyncadd.s32 $0xFFFFC800  }
0x6c: {  	_ =	swait.ge [sflag:s19], $0x3800  }
0x6d: {  	[sflag:s19] =	ssyncset.done $0x0  }
0x6e: {  	[sflag:s19] =	ssyncadd.s32 $0xFFFFC800  }
0x6f: {  	_ =	swait.ge [sflag:s19], $0x3800  }
0x70: {  	[sflag:s19] =	ssyncset.done $0x0  }
0x71: {  	[sflag:s19] =	ssyncadd.s32 $0xFFFFC800  }
0x72: {  	_ =	swait.ge [sflag:s19], $0x3800  }
0x73: {  	[sflag:s19] =	ssyncset.done $0x0  }
0x74: {  	[sflag:s19] =	ssyncadd.s32 $0xFFFFC800  }
0x75: {  	_ =	swait.ge [sflag:s19], $0x3800  }
0x76: {  	[sflag:s19] =	ssyncset.done $0x0  }
0x77: {  	[sflag:s19] =	ssyncadd.s32 $0xFFFFC800  }
0x78: {  	_ =	swait.ge [sflag:s19], $0x3800  }
0x79: {  	[sflag:s19] =	ssyncset.done $0x0  }
0x7a: {  	[sflag:s19] =	ssyncadd.s32 $0xFFFFC800  }
0x7b: {  	_ =	swait.ge [sflag:s19], $0x3800  }
0x7c: {  	[sflag:s19] =	ssyncset.done $0x0  }
0x7d: {  	[sflag:s19] =	ssyncadd.s32 $0xFFFFC800  }
0x7e: {  	[hbm4b:s20+s3] =	stream.linear.scatter [tilespmem:s7], [sflag:$0x2], $0x18800, $0x38;
	[tilespmem:$0x18E80] =	vst v63  }
0x7f: {  	_ =	swait.ge [sflag:s4], $0x18800  }
0x80: {  	[sflag:s4] =	ssyncset.done $0x0  }
0x81: {  	[sflag:s4] =	ssyncadd.s32 $0xFFFE7800  }
0x82: {  	[tilespmem:s7], [sflag:$0x1] =	stream.indirect.gather [hbm4b:s2+s6], $0x80, s21, s6, $0xb8;
	[tilespmem:$0x18E80] =	vst v63  }
0x83: {  	_ = 	snop  }
0x84: {  	[tilespmem:s8], [sflag:$0x1] =	stream.indirect.gather [hbm4b:s2+s6], $0x80, s22, s6, $0xb8;
	[tilespmem:$0x18E80] =	vst v63  }
0x85: {  	_ = 	snop  }
0x86: {  	[tilespmem:s10], [sflag:$0x1] =	stream.indirect.gather [hbm4b:s2+s6], $0x80, s23, s6, $0xb8;
	[tilespmem:$0x18E80] =	vst v63  }
0x87: {  	_ = 	snop  }
0x88: {  	[tilespmem:s12], [sflag:$0x1] =	stream.indirect.gather [hbm4b:s2+s6], $0x80, s24, s6, $0xb8;
	[tilespmem:$0x18E80] =	vst v63  }
0x89: {  	_ = 	snop  }
0x8a: {  	[tilespmem:s14], [sflag:$0x1] =	stream.indirect.gather [hbm4b:s2+s6], $0x80, s25, s6, $0xb8;
	[tilespmem:$0x18E80] =	vst v63  }
0x8b: {  	_ = 	snop  }
0x8c: {  	[tilespmem:s16], [sflag:$0x1] =	stream.indirect.gather [hbm4b:s2+s6], $0x80, s26, s6, $0xb8;
	[tilespmem:$0x18E80] =	vst v63  }
0x8d: {  	_ = 	snop  }
0x8e: {  	[tilespmem:s18], [sflag:$0x1] =	stream.indirect.gather [hbm4b:s2+s6], $0x80, s28, s6, $0xb8;
	[tilespmem:$0x18E80] =	vst v63  }
0x8f: {  	_ =	swait.ge [sflag:s19], $0x3800  }
0x90: {  	[sflag:s19] =	ssyncset.done $0x0  }
0x91: {  	[sflag:s19] =	ssyncadd.s32 $0xFFFFC800  }
0x92: {  	_ =	swait.ge [sflag:s19], $0x3800  }
0x93: {  	[sflag:s19] =	ssyncset.done $0x0  }
0x94: {  	[sflag:s19] =	ssyncadd.s32 $0xFFFFC800  }
0x95: {  	_ =	swait.ge [sflag:s19], $0x3800  }
0x96: {  	[sflag:s19] =	ssyncset.done $0x0  }
0x97: {  	[sflag:s19] =	ssyncadd.s32 $0xFFFFC800  }
0x98: {  	_ =	swait.ge [sflag:s19], $0x3800  }
0x99: {  	[sflag:s19] =	ssyncset.done $0x0  }
0x9a: {  	[sflag:s19] =	ssyncadd.s32 $0xFFFFC800  }
0x9b: {  	_ =	swait.ge [sflag:s19], $0x3800  }
0x9c: {  	[sflag:s19] =	ssyncset.done $0x0  }
0x9d: {  	[sflag:s19] =	ssyncadd.s32 $0xFFFFC800  }
0x9e: {  	_ =	swait.ge [sflag:s19], $0x3800  }
0x9f: {  	[sflag:s19] =	ssyncset.done $0x0  }
0xa0: {  	[sflag:s19] =	ssyncadd.s32 $0xFFFFC800  }
0xa1: {  	_ =	swait.ge [sflag:s19], $0x3800  }
.Ltmp1:
0xa2: {  	[sflag:s19] =	ssyncset.done $0x0;
	(pc) =	sbr.rel @p0 .LBB2_1-.Ltmp1, $4  }
0xa3: {  	[sflag:s19] =	ssyncadd.s32 $0xFFFFC800  }
0xa4: {  	[hbm4b:s29+s3] =	stream.linear.scatter [tilespmem:s7], [sflag:$0x2], $0x18800, $0x38;
	[tilespmem:$0x18E80] =	vst v63  }
0xa5: {  	_ =	swait.ge [sflag:s4], $0x18800  }
0xa6: {  	[sflag:s4] =	ssyncset.done $0x0  }
.LBB2_2:
0xa7: {  	[sflag:s4] =	ssyncadd.s32 $0xFFFE7800  }
0xa8: {  	_ =	sfence.sel $0x180000  }
0xa9: {  	[bflag:$0x0] =	sbarrier.arrive $0xFFFF  }
0xaa: {  	_ =	strace $0x90000047  }
0xab: {  	[bflag:$0x2] =	sbarrier.arrive $0xFFFF  }
0xac: {  	p0 =	sne.s32 s0, $0x0;
	s0 =	rddreg [dreg:$0x2]  }
0xad: {  	s0 =	sadd.s32 @!p0 $0x100000, s0  }
0xae: {  	[sflag:s0] =	ssyncadd.tile.s32 @!p0 $0x1;
	_ =	shalt  }
.Lfunc_end2:
_tile_overlayer_lowered:
.L_overlay_start_2:
0xaf: {  	(tag) =	ssettag $0x2  }
0xb0: {  	s0 =	rddreg [dreg:$0x0];
	s2 =	stileid.u32  }
0xb1: {  	s1 =	rddreg [dreg:$0x1];
	p0 =	sne.s32 s2, $0x0  }
0xb2: {  	s3 =	rddreg [dreg:$0x2];
	[bflag:$0x3] =	sbarrier.arrive $0xFFFF;
	s2 =	simm.s32 @!p0 $0x1C02  }
0xb3: {  	[timem:s3], [sflag:s2] =	dma.local @!p0 [hbm:s0], s1  }
0xb4: {  	s0 =	simm.s32 @!p0 $0x2  }
0xb5: {  	_ =	swait.ge @!p0 [sflag:s0], s1  }
0xb6: {  	s1 =	ssub.s32 @!p0 $0x0, s1;
	[sflag:s0] =	ssyncset.done @!p0 $0x0  }
0xb7: {  	[sflag:s0] =	ssyncadd.s32 @!p0 s1  }
0xb8: {  	[bflag:$0x3] =	sbarrier.arrive $0xFFFF  }
0xb9: {  	_ =	shalt  }

// kernel: sparse-core-data-format-call.cloned.1.call-start
scs
called_computation_lowered:
.L_overlay_start_0:
0x0: {  	s2 =	sld [smem:$0x3FD9]  }
0x1: {  	s3 =	sld [smem:$0x3FFE];
	_ =	sdelay $0x1  }
0x2: {  	s1 =	srdreg.scid  }
0x3: {  	s0 =	sand.u32 $0x1, s1  }
0x4: {  	s18 =	sshll.u32 s0, $0xA;
	s2 =	sadd.s32 s3, s2  }
0x5: {  	s2 =	sadd.s32 s2, s18  }
0x6: {  	[smem:$0x3FC6] =	sst s2  }
0x7: {  	_ = 	snop  }
0x8: {  	s2 =	sld [smem:$0x3FD0];
	(tm) =	ssettm $0x1  }
0x9: {  	s19 =	sld [smem:$0x3FFB];
	_ =	sdelay $0x3  }
0xa: {  	_ =	strace s19  }
0xb: {  	s3 =	sld [smem:$0x3FFC];
	_ =	sdelay $0x3  }
0xc: {  	_ =	strace s3  }
0xd: {  	s3 =	sld [smem:$0x3FFD];
	_ =	sdelay $0x3  }
0xe: {  	_ =	strace s3  }
0xf: {  	_ =	strace $0x8FFFFFFF  }
0x10: {  	s20 =	sld [smem:$0x3FDB];
	_ =	sdelay $0x1  }
0x11: {  	s4 =	simm.s32 $_scs_section_size  }
0x12: {  	s5 =	simm.s32 $_size__tile_overlayer_lowered;
	s6 =	simm.s32 $_tile_overlayer_lowered  }
0x13: {  	s23 =	simm.s32 $0x1BFF;
	s22 =	sshll.u32 s6, $0x1;
	s3 =	sadd.s32 s4, s20  }
0x14: {  	s7 =	simm.s32 $0x0;
	s21 =	sshll.u32 s5, $0x1;
	s5 =	sadd.s32 s22, s3  }
0x15: {  	[timem:s7], [sflag:s23] =	dma.local [hbm:s5], s21  }
0x16: {  	_ =	swait.ge [sflag:s23], s21  }
0x17: {  	s4 =	ssub.s32 $0x0, s21;
	[sflag:s23] =	ssyncset.done $0x0  }
0x18: {  	[sflag:s23] =	ssyncadd.s32 s4;
	_ =	sdelay $0x1  }
0x19: {  	s24 =	simm.s32 $0x1B8B  }
0x1a: {  	_ =	swait.ge [sflag:s24], $0x1  }
0x1b: {  	[sflag:s24] =	ssyncset.done $0x0  }
0x1c: {  	s26 =	simm.s32 $0x1B8E;
	s25 =	sld [smem:$0x3FFE];
	[sflag:s24] =	ssyncadd.s32 $0xFFFFFFFF  }
0x1d: {  	s27 =	simm.s32 $execute0_lowered;
	[smem:$0x3FD2] =	sst s26  }
0x1e: {  	s5 =	sshll.u32 s27, $0x1;
	_ =	strace $0x80000049;
	[dreg:$0x1] =	wrdreg $0xFFFFFFFF  }
0x1f: {  	s28 =	simm.s32 $_size_execute0_lowered;
	s3 =	sadd.s32 s3, s5;
	[dreg:$0x0] =	wrdreg $0x0  }
0x20: {  	s5 =	sshll.u32 s28, $0x1;
	[dreg:$0x2] =	wrdreg s3  }
0x21: {  	[dreg:$0x3] =	wrdreg s5  }
0x22: {  	[dreg:$0x4] =	wrdreg $0xC0  }
0x23: {  	_ =	task [dreg:s7], $0x5FFFF  }
0x24: {  	[dreg:$0x1] =	wrdreg $0xFFFFFFFF  }
0x25: {  	[dreg:$0x0] =	wrdreg $0x60  }
0x26: {  	[dreg:$0x2] =	wrdreg s25  }
0x27: {  	[dreg:$0x3] =	wrdreg s2  }
0x28: {  	[dreg:$0x4] =	wrdreg $0x9  }
0x29: {  	_ =	task.clear_ibuf [dreg:s7], $0x5FFFF;
	_ =	strace $0x90000049  }
0x2a: {  	s29 =	simm.s32 $0x9;
	_ =	strace $0x8000004B  }
0x2b: {  	_ =	swait.ge [sflag:s29], $0x1  }
0x2c: {  	[sflag:s29] =	ssyncadd.s32 $0xFFFFFFFF  }
0x2d: {  	_ =	strace $0x9000004B  }
0x2e: {  	_ =	sfence  }
0x2f: {  	s30 =	sld [smem:$0x0];
	_ =	sdelay $0x2  }
0x30: {  	s31 =	sshll.u32 s1, $0xD;
	s1 =	sshrl.u32 s1, $0x2  }
0x31: {  	s3 =	sand.u32 $0x4000, s31;
	s1 =	sadd.s32 s1, s30  }
0x32: {  	s0 =	sor.u32 s3, s0;
	s1 =	sshll.u32 s1, $0x11  }
0x33: {  	s0 =	sor.u32 s1, s0  }
0x34: {  	s0 =	sadd.s32 $0x8F2B, s0  }
0x35: {  	[sflag:s0] =	ssyncadd.remote.s32 $0x1  }
0x36: {  	_ =	sfence.sel $0xFFFF  }
0x37: {  	[dreg:$0x0] =	wrdreg $0xFFFFFFFF;
	(pc) =	sbr.abs _section_cstart, $3  }
0x38: {  	[dreg:$0x1] =	wrdreg $0xFFFFFFFF  }
0x39: {  	_ =	task.clear_ibuf [dreg:s7], $0x2FFFF;
	_ =	strace $0x9FFFFFFF  }
0x3a: {  	(tm) =	ssettm $0x7FFFFFFF  }
0x3b: {  	_ =	shalt  }
tec
execute0_lowered:
.L_overlay_start_1:
0x0: {  	(tag) =	ssettag $0x1  }
0x1: {  	s2 =	rddreg [dreg:$0x0];
	s0 =	srdreg.scid  }
0x2: {  	s3 =	rddreg [dreg:$0x1];
	s1 =	stileid.u32  }
0x3: {  	_ =	strace $0x8000004A;
	s10 =	simm.s32 $0x2;
	s20 =	simm.s32 $0x0  }
0x4: {  	p0 =	por $0x0, $0x0;
	s11 =	simm.s32 $0x100;
	s23 =	simm.s32 $0x0  }
0x5: {  	s21 =	simm.s32 $0x0;
	s22 =	simm.s32 $0x0;
	s13 =	simm.s32 $0x0  }
0x6: {  	s14 =	simm.s32 $0x0;
	s15 =	simm.s32 $0x0;
	s4 =	sshll.u32 s0, $0x4  }
0x7: {  	s17 =	simm.s32 $0x0;
	s19 =	simm.s32 $0x0;
	s5 =	sand.u32 $0x10, s4  }
0x8: {  	s6 =	sshrl.u32 s1, $0x1;
	s4 =	sand.u32 $0x1, s1;
	s9 =	sor.u32 s1, s5  }
0x9: {  	s30 =	ssub.s32 $0x2, s4;
	s5 =	sand.u32 $0x3, s6;
	s6 =	simm.s32 $0x0  }
.Ltmp0:
0xa: {  	s7 =	sshrl.u32 s30, $0x1;
	s8 =	sand.u32 $0x1, s30;
	(pc) =	sbr.rel .LBB1_1-.Ltmp0, $4  }
0xb: {  	s18 =	smov.u32 s4;
	s31 =	sshll.u32 s9, $0x4;
	s8 =	sadd.s32 s8, s7  }
0xc: {  	s9 =	sshll.u32 s9, $0x7;
	s7 =	simm.s32 $0x1;
	s8 =	smul.u32 $0x75, s8  }
0xd: {  	s16 =	smov.u32 s5;
	s0 =	sand.u32 $0x180, s31;
	[sflag:s7] =	ssyncpa.u1 $0x0  }
0xe: {  	s9 =	sand.u32 $0xC00, s9;
	[sflag:s10] =	ssyncpa.u1 $0x0;
	s10 =	sadd.s32 $0x1, s8  }
.LBB1_4:
0xf: {  	s28 =	sshra.s32 s28, $0x2;
	p1 =	sgt.s32 s13, $0x1D3;
	s29 =	sshra.s32 s15, $0x1F;
	v5 =	vld [tilespmem:s25+$0xFFFFFFD0]  }
0x10: {  	s30 =	smov.u32 s15;
	s31 =	sshra.s32 s13, $0x1F;
	s12 =	smov.u32 s6;
	v58 =	vld [tilespmem:s25+$0xFFFFFFE0]  }
0x11: {  	[tilespmem:s26+$0x2040 ss:$0x81] =	vst.msk $0xffff, v4;
	v59 =	vld [tilespmem:s25+$0xFFFFFFF0];
	s27 =	sadd.s32 s28, s27;
	s28 =	smov.u32 s13;
	s29 =	sand.u32 s29, s15  }
0x12: {  	[tilespmem:s26+$0x2850 ss:$0x81] =	vst.msk $0xffff, v3;
	v60 =	vld [tilespmem:s25+$0x0];
	s31 =	sand.u32 s31, s13;
	s28 =	simm.s32 @!p1 $0x1D3;
	p1 =	sgt.s32 s15, $0x1  }
0x13: {  	[tilespmem:s26+$0x3060 ss:$0x81] =	vst.msk $0xffff, v2;
	v61 =	vld [tilespmem:s25+$0x10];
	s29 =	sxor.u32 $0xFFFFFFFF, s29;
	s30 =	simm.s32 @!p1 $0x1;
	p1 =	sgt.s32 s6, $0x154  }
0x14: {  	[tilespmem:s26+$0x0 ss:$0x81] =	vst.msk $0xffff, v1;
	v62 =	vld [tilespmem:s25+$0x20];
	s26 =	ssub.s32 s28, s31;
	s29 =	sadd.s32 s29, s30;
	s12 =	simm.s32 @!p1 $0x154  }
0x15: {  	v63 =	vld [tilespmem:s25+$0xFFFFFFC0];
	s30 =	ssub.s32 $0x0, s14;
	s31 =	sadd.s32 $0xFFFFFE2D, s26;
	s25 =	ssub.s32 $0x1D4, s26  }
0x16: {  	p1 =	sgt.s32 s29, $0x0;
	s29 =	ssub.s32 $0x1, s29;
	s12 =	ssub.s32 $0x1D4, s12  }
0x17: {  	[tilespmem:s27+$0x3870 ss:$0x81] =	vst.msk $0xffff, v0;
	s30 =	smin.u32 s14, s30;
	p2 =	sgt.s32 s31, $0x0;
	s29 =	simm.s32 @p1 $0x0  }
0x18: {  	[tilespmem:s27+$0x810 ss:$0x81] =	vst.msk $0xffff, v5;
	p1 =	sgt.s32 s30, $0x7F;
	s28 =	ssub.s32 $0x80, s30;
	s12 =	smul.u32 s29, s12  }
0x19: {  	[tilespmem:s27+$0x1020 ss:$0x81] =	vst.msk $0xffff, v58;
	s30 =	smul.u32 $0x3A80, s13;
	s28 =	simm.s32 @p1 $0x0;
	s29 =	sshll.u32 s15, $0x4  }
0x1a: {  	[tilespmem:s27+$0x1830 ss:$0x81] =	vst.msk $0xffff, v59;
	s31 =	sshrl.u32 s14, $0x3;
	s26 =	sand.u32 $0x10, s29;
	s12 =	smul.u32 s28, s12  }
0x1b: {  	[tilespmem:s27+$0x2040 ss:$0x81] =	vst.msk $0xffff, v60;
	s25 =	simm.s32 @p2 $0x0;
	s29 =	sand.u32 $0x7, s14;
	s26 =	sadd.s32 s3, s26  }
0x1c: {  	[tilespmem:s27+$0x2850 ss:$0x81] =	vst.msk $0xffff, v61;
	s26 =	sadd.s32 s30, s26;
	s12 =	smul.u32 s25, s12;
	s25 =	sand.u32 $0xF, s31  }
0x1d: {  	[tilespmem:s27+$0x3060 ss:$0x81] =	vst.msk $0xffff, v62;
	s28 =	sshll.u32 s29, $0x12;
	s30 =	sshll.u32 s6, $0x5;
	s25 =	sadd.s32 s25, s26  }
0x1e: {  	[tilespmem:s27+$0x0 ss:$0x81] =	vst.msk $0xffff, v63;
	s31 =	sor.u32 $0x80, s28;
	s12 =	sand.u32 $0x3FFFFFFF, s12;
	s25 =	sadd.s32 s30, s25  }
0x1f: {  	[hbm4b:s25+s31] =	stream.strided.scatter [tilespmem:s24], [sflag:$0x2], s12, s11, s31, $0x20;
	[tilespmem:$0x10100] =	vst v63  }
.LBB1_5:
0x20: {  	p1 =	slt.u32 s19, $0x2  }
0x21: {  	p2 =	sgt.s32 @!p1 s23, $0x1D3  }
0x22: {  	s12 =	smov.u32 s23;
	s24 =	sshra.s32 @!p1 s23, $0x1F;
	p2 =	por !p2, p1  }
0x23: {  	s23 =	sand.u32 @!p1 s24, s23;
	s12 =	simm.s32 @p2 $0x1D3  }
0x24: {  	s24 =	sshra.s32 @!p1 s22, $0x1F;
	p2 =	sgt.s32 @!p1 s22, $0x1;
	s12 =	ssub.s32 @!p1 s12, s23  }
0x25: {  	p2 =	por !p2, p1;
	s23 =	smov.u32 s22;
	s22 =	sand.u32 @!p1 s24, s22  }
0x26: {  	s23 =	simm.s32 @p2 $0x1;
	p2 =	sgt.s32 @!p1 s20, $0x154;
	s22 =	sxor.u32 @!p1 $0xFFFFFFFF, s22  }
0x27: {  	s24 =	sadd.s32 @!p1 $0xFFFFFE2D, s12;
	p2 =	por !p2, p1;
	s22 =	sadd.s32 @!p1 s22, s23  }
0x28: {  	s23 =	ssub.s32 @!p1 $0x0, s21;
	s20 =	simm.s32 @p2 $0x154;
	p2 =	sgt.s32 @!p1 s22, $0x0  }
0x29: {  	s22 =	ssub.s32 @!p1 $0x1, s22;
	s21 =	smin.u32 @!p1 s21, s23;
	p2 =	por !p2, p1  }
0x2a: {  	s20 =	ssub.s32 @!p1 $0x1D4, s20;
	s22 =	simm.s32 @!p2 $0x0;
	p2 =	sgt.s32 @!p1 s21, $0x7F  }
0x2b: {  	s21 =	ssub.s32 @!p1 $0x80, s21;
	p2 =	por !p2, p1;
	s20 =	smul.u32 @!p1 s22, s20  }
0x2c: {  	s25 =	smov.u32 s17;
	s21 =	simm.s32 @!p2 $0x0;
	p2 =	sgt.s32 @!p1 s24, $0x0  }
0x2d: {  	s12 =	ssub.s32 @!p1 $0x1D4, s12;
	p2 =	por !p2, p1;
	s20 =	smul.u32 @!p1 s21, s20  }
0x2e: {  	s27 =	smov.u32 s18;
	s24 =	sadd.s32 $0x4, s16;
	s12 =	simm.s32 @!p2 $0x0  }
0x2f: {  	p2 =	sgt.s32 s24, $0x1D3;
	s12 =	smul.u32 @!p1 s12, s20;
	s20 =	sadd.s32 $0x80, s17  }
0x30: {  	s28 =	sadd.s32 $0x1, s19;
	p0 =	por !p0, !p0;
	s25 =	smov.u32 @p2 s20  }
0x31: {  	s24 =	smov.u32 @p2 s5;
	s20 =	sadd.s32 $0x2, s18;
	p2 =	sgt.s32 s25, $0x7F  }
0x32: {  	s26 =	simm.s32 @!p1 $0x2;
	s23 =	smov.u32 s13;
	s27 =	smov.u32 @p2 s20  }
0x33: {  	s13 =	smov.u32 s16;
	s25 =	simm.s32 @p2 $0x0;
	p2 =	sgt.s32 s27, $0x1  }
0x34: {  	s22 =	smov.u32 s15;
	s27 =	smov.u32 @p2 s4;
	p2 =	sne.s32 s19, s10  }
.Ltmp1:
0x35: {  	s15 =	smov.u32 s18;
	s21 =	smov.u32 s14;
	(pc) =	sbr.rel @!p2 .LBB1_6-.Ltmp1, $4  }
0x36: {  	s14 =	smov.u32 s17;
	s16 =	smov.u32 s24;
	s12 =	sand.u32 @!p1 $0x3FFFFFFF, s12  }
0x37: {  	_ =	swait.ge @!p1 [sflag:s26], s12;
	s12 =	ssub.s32 @!p1 $0x0, s12;
	s20 =	smov.u32 s6  }
0x38: {  	s6 =	smov.u32 s0;
	[sflag:s26] =	ssyncset.done @!p1 $0x0;
	s17 =	smov.u32 s25  }
0x39: {  	[sflag:s26] =	ssyncadd.s32 @!p1 s12;
	s19 =	smov.u32 s28;
	s18 =	smov.u32 s27  }
.LBB1_1:
0x3a: {  	p1 =	sge.u32 s19, s8  }
0x3b: {  	s24 =	sshll.u32 @!p1 s16, $0x9  }
0x3c: {  	s25 =	sshll.u32 @!p1 s16, $0x7;
	s24 =	sand.u32 @!p1 $0xFFFFF000, s24  }
0x3d: {  	s25 =	sand.u32 @!p1 $0x200, s25;
	s24 =	sor.u32 @!p1 s9, s24  }
0x3e: {  	s24 =	sor.u32 @!p1 s25, s24  }
0x3f: {  	s24 =	sshrl.u32 @!p1 s24, $0x9  }
0x40: {  	s25 =	smulhi.u32 @!p1 $0x8AD8F3, s24  }
0x41: {  	s26 =	smul.u32 @!p1 $0x3B0000, s18  }
0x42: {  	s25 =	smul.u32 @!p1 $0x1D8, s25  }
0x43: {  	s31 =	sadd.s32 $0xFFFFFFFF, s19;
	s27 =	sxor.u32 @!p1 $0xFFFFFFFF, s19;
	s28 =	smul.u32 @!p1 $0x7600, s17  }
0x44: {  	s26 =	sadd.s32 @!p1 s2, s26;
	s24 =	ssub.s32 @!p1 s24, s25;
	s25 =	sshll.u32 @!p1 s16, $0x4  }
0x45: {  	s27 =	sshll.u32 @!p1 s27, $0xE;
	s26 =	sadd.s32 @!p1 s28, s26;
	s25 =	sand.u32 @!p1 $0x30, s25  }
0x46: {  	s27 =	sand.u32 @!p1 $0x4000, s27;
	s24 =	sshll.u32 @!p1 s24, $0x6;
	s25 =	sadd.s32 @!p1 s25, s26  }
0x47: {  	s26 =	simm.s32 @!p1 $0x3B000;
	s24 =	sadd.s32 @!p1 s24, s25;
	s25 =	simm.s32 @!p1 $0x80  }
0x48: {  	[tilespmem:s27], [sflag:$0x1] =	stream.strided.gather @!p1 [hbm4b:s24+s25], $0x4000, s26, s25, $0x38;
	[tilespmem:$0x10100] =	vst v63  }
0x49: {  	p1 =	sge.u32 s31, s8  }
.Ltmp2:
0x4a: {  	_ = 	snop;
	(pc) =	sbr.rel @p1 .LBB1_5-.Ltmp2, $1  }
0x4b: {  	_ =	sdelay $0x3  }
0x4c: {  	s24 =	simm.s32 $0x1  }
0x4d: {  	_ =	swait.ge [sflag:s7], $0x4000;
	s24 =	simm.s32 @!p0 $0x0  }
0x4e: {  	[sflag:s7] =	ssyncset.done $0x0;
	s25 =	sshll.u32 s24, $0xE  }
0x4f: {  	[sflag:s7] =	ssyncadd.s32 $0xFFFFC000;
	s25 =	sor.u32 $0x40, s25  }
0x50: {  	s24 =	smul.u32 $0x10200, s24;
	v0 =	vld [tilespmem:s25+$0x30]  }
0x51: {  	v1 =	vld [tilespmem:s25+$0xFFFFFFD0]  }
0x52: {  	s24 =	sshrl.u32 s24, $0x2;
	v5 =	vld [tilespmem:s25+$0xFFFFFFE0]  }
0x53: {  	v6 =	vld [tilespmem:s25+$0xFFFFFFF0];
	s27 =	sor.u32 $0x8000, s24  }
0x54: {  	s31 =	sand.u32 $0x1, s19;
	v4 =	vld [tilespmem:s25+$0x0];
	s26 =	sadd.s32 $0x0, s27  }
0x55: {  	v3 =	vld [tilespmem:s25+$0x10];
	s24 =	smul.u32 $0x10200, s31;
	[tilespmem:s26+$0x3870 ss:$0x81] =	vst.msk $0xffff, v0  }
0x56: {  	v2 =	vld [tilespmem:s25+$0x20];
	[tilespmem:s26+$0x810 ss:$0x81] =	vst.msk $0xffff, v1  }
0x57: {  	s24 =	sshrl.u32 s24, $0x2;
	v1 =	vld [tilespmem:s25+$0xFFFFFFC0];
	[tilespmem:s26+$0x1020 ss:$0x81] =	vst.msk $0xffff, v5;
	s25 =	sadd.s32 $0x80, s25  }
0x58: {  	s28 =	simm.s32 $0x4;
	s29 =	simm.s32 $0x8;
	s24 =	sor.u32 $0x8000, s24;
	[tilespmem:s26+$0x1830 ss:$0x81] =	vst.msk $0xffff, v6;
	v0 =	vld [tilespmem:s25+$0x30]  }
.LBB1_3:
0x59: {  	p1 =	sne.s32 s29, $0x1FC;
	v5 =	vld [tilespmem:s25+$0xFFFFFFD0];
	[tilespmem:s26+$0x2040 ss:$0x81] =	vst.msk $0xffff, v4  }
0x5a: {  	v6 =	vld [tilespmem:s25+$0xFFFFFFE0];
	[tilespmem:s26+$0x2850 ss:$0x81] =	vst.msk $0xffff, v3  }
0x5b: {  	s30 =	sshra.s32 s28, $0x2;
	s28 =	smov.u32 s29;
	v7 =	vld [tilespmem:s25+$0xFFFFFFF0];
	[tilespmem:s26+$0x3060 ss:$0x81] =	vst.msk $0xffff, v2  }
.Ltmp3:
0x5c: {  	v4 =	vld [tilespmem:s25+$0x0];
	[tilespmem:s26+$0x0 ss:$0x81] =	vst.msk $0xffff, v1;
	s26 =	sadd.s32 s30, s27;
	(pc) =	sbr.rel @p1 .LBB1_3-.Ltmp3, $4  }
0x5d: {  	v3 =	vld [tilespmem:s25+$0x10];
	[tilespmem:s26+$0x3870 ss:$0x81] =	vst.msk $0xffff, v0  }
0x5e: {  	[tilespmem:s26+$0x810 ss:$0x81] =	vst.msk $0xffff, v5;
	v2 =	vld [tilespmem:s25+$0x20]  }
0x5f: {  	v1 =	vld [tilespmem:s25+$0xFFFFFFC0];
	[tilespmem:s26+$0x1020 ss:$0x81] =	vst.msk $0xffff, v6;
	s25 =	sadd.s32 $0x80, s25  }
0x60: {  	s29 =	sadd.s32 $0x4, s29;
	v0 =	vld [tilespmem:s25+$0x30];
	[tilespmem:s26+$0x1830 ss:$0x81] =	vst.msk $0xffff, v7  }
.Ltmp4:
0x61: {  	_ = 	snop;
	(pc) =	sbr.rel .LBB1_4-.Ltmp4, $1  }
0x62: {  	_ =	sdelay $0x3  }
.LBB1_6:
0x63: {  	_ =	sfence.sel $0x180000  }
0x64: {  	s0 =	simm.s32 $0x1;
	[bflag:$0x0] =	sbarrier.arrive $0xFFFF  }
0x65: {  	s31 =	simm.s32 $0x2;
	[sflag:s0] =	ssyncpa.u1 $0x1  }
0x66: {  	[sflag:s31] =	ssyncpa.u1 $0x1  }
0x67: {  	_ =	strace $0x9000004A  }
0x68: {  	[bflag:$0x2] =	sbarrier.arrive $0xFFFF  }
0x69: {  	p0 =	sne.s32 s1, $0x0;
	s0 =	rddreg [dreg:$0x2]  }
0x6a: {  	s0 =	sadd.s32 @!p0 $0x100000, s0  }
0x6b: {  	[sflag:s0] =	ssyncadd.tile.s32 @!p0 $0x1;
	_ =	shalt  }
.Lfunc_end1:
_tile_overlayer_lowered:
.L_overlay_start_2:
0x6c: {  	(tag) =	ssettag $0x2  }
0x6d: {  	s0 =	rddreg [dreg:$0x0];
	s2 =	stileid.u32  }
0x6e: {  	s1 =	rddreg [dreg:$0x1];
	p0 =	sne.s32 s2, $0x0  }
0x6f: {  	s3 =	rddreg [dreg:$0x2];
	[bflag:$0x3] =	sbarrier.arrive $0xFFFF;
	s2 =	simm.s32 @!p0 $0x1C01  }
0x70: {  	[timem:s3], [sflag:s2] =	dma.local @!p0 [hbm:s0], s1  }
0x71: {  	s0 =	simm.s32 @!p0 $0x1  }
0x72: {  	_ =	swait.ge @!p0 [sflag:s0], s1  }
0x73: {  	s1 =	ssub.s32 @!p0 $0x0, s1;
	[sflag:s0] =	ssyncset.done @!p0 $0x0  }
0x74: {  	[sflag:s0] =	ssyncadd.s32 @!p0 s1  }
0x75: {  	[bflag:$0x3] =	sbarrier.arrive $0xFFFF  }
0x76: {  	_ =	shalt  }

</sc_bundles>
